<compile_context>
chip_gen: v7x
topology: tpu7x:2x2x1
jax: 0.10.2.dev20260603
libtpu: 0.0.44.dev20260713+nightly
codegen_flags: <defaults>
</compile_context>

<pallas_src>
import functools

import jax
import jax.numpy as jnp
from jax import lax
from jax.experimental import pallas as pl
from jax.experimental.pallas import tpu as pltpu
from jax.experimental.pallas import tpu_sc as plsc

IN_SIZE = 1024
HID = 1024
MEM_SIZE = 65536
MEM_DIM = 512
OUT_SIZE = 1024
TOP_K = 3

NUM_BLOCKS = 16
BLK = MEM_SIZE // NUM_BLOCKS

LANES = 16
CAND = TOP_K * LANES
NEG = -3.0e38
BIGI = 2**30


def _tc1_body(x_ref, W1_ref, b1_ref, W2_ref, b2_ref, Wq_ref, bq_ref,
              Wt_ref, bout_ref, mk_ref, imp_ref, sims_ref, pout_ref, qn_scr):
    i = pl.program_id(0)

    @pl.when(i == 0)
    def _():
        h1 = jnp.maximum(
            jnp.dot(x_ref[...], W1_ref[...], preferred_element_type=jnp.float32)
            + b1_ref[...], 0.0)
        h2 = jnp.dot(h1, W2_ref[...], preferred_element_type=jnp.float32) + b2_ref[...]
        q = jnp.dot(h2, Wq_ref[...], preferred_element_type=jnp.float32) + bq_ref[...]
        qn = q * (1.0 / jnp.maximum(jnp.sqrt(jnp.sum(q * q)), 1e-12))
        qn_scr[...] = qn
        pout_ref[...] = (jnp.dot(h2, Wt_ref[...], preferred_element_type=jnp.float32)
                         + bout_ref[...])

    mk = mk_ref[...]
    qn = qn_scr[...]
    dn = (((1,), (1,)), ((), ()))
    s = lax.dot_general(qn, mk, dn, preferred_element_type=jnp.float32)
    ones = jnp.ones((1, MEM_DIM), dtype=jnp.bfloat16)
    mk2 = (mk * mk).astype(jnp.bfloat16)
    rsq = lax.dot_general(ones, mk2, dn, preferred_element_type=jnp.float32)
    rn = 1.0 / jnp.maximum(jnp.sqrt(rsq), 1e-12)
    sims_ref[...] = (s * rn * imp_ref[...].reshape(1, BLK)).reshape(BLK)


def _tc1(x_last, W1, b1, W2, b2, Wq, bq, Wt, bout, mem_keys, imp):
    full2 = lambda shape: pl.BlockSpec(shape, lambda i: (0, 0))
    return pl.pallas_call(
        _tc1_body,
        grid=(NUM_BLOCKS,),
        in_specs=[
            full2((1, IN_SIZE)),
            full2((IN_SIZE, HID)),
            full2((1, HID)),
            full2((HID, HID)),
            full2((1, HID)),
            full2((HID, MEM_DIM)),
            full2((1, MEM_DIM)),
            full2((HID, OUT_SIZE)),
            full2((1, OUT_SIZE)),
            pl.BlockSpec((BLK, MEM_DIM), lambda i: (i, 0)),
            pl.BlockSpec((BLK,), lambda i: (i,)),
        ],
        out_specs=[
            pl.BlockSpec((BLK,), lambda i: (i,)),
            full2((1, OUT_SIZE)),
        ],
        out_shape=[
            jax.ShapeDtypeStruct((MEM_SIZE,), jnp.float32),
            jax.ShapeDtypeStruct((1, OUT_SIZE), jnp.float32),
        ],
        scratch_shapes=[pltpu.VMEM((1, MEM_DIM), jnp.float32)],
    )(x_last, W1, b1, W2, b2, Wq, bq, Wt, bout, mem_keys, imp)


def _tiecmp(v, i, mv, mi):
    return jnp.logical_or(v > mv, jnp.logical_and(v == mv, i < mi))


def _insert3(v, ii, carry):
    b1, b2, b3, i1, i2, i3 = carry
    c1 = _tiecmp(v, ii, b1, i1)
    nb1 = jnp.where(c1, v, b1)
    ni1 = jnp.where(c1, ii, i1)
    dv = jnp.where(c1, b1, v)
    di = jnp.where(c1, i1, ii)
    c2 = _tiecmp(dv, di, b2, i2)
    nb2 = jnp.where(c2, dv, b2)
    ni2 = jnp.where(c2, di, i2)
    dv2 = jnp.where(c2, b2, dv)
    di2 = jnp.where(c2, i2, di)
    c3 = _tiecmp(dv2, di2, b3, i3)
    nb3 = jnp.where(c3, dv2, b3)
    ni3 = jnp.where(c3, di2, i3)
    return (nb1, nb2, nb3, ni1, ni2, ni3)


def _permute(v, idx):
    dn = lax.GatherDimensionNumbers(
        offset_dims=(), collapsed_slice_dims=(0,), start_index_map=(0,))
    return lax.gather(v, idx[:, None], dn, slice_sizes=(1,),
                      mode=lax.GatherScatterMode.PROMISE_IN_BOUNDS)


NS1 = 16
ROWS1 = MEM_SIZE // NS1
VECS1 = ROWS1 // LANES
NCAND1 = NS1 * CAND


def _sc_retrieve_body(sims_hbm, vals_hbm, out_hbm,
                      chunk, cvs, cis, shv, shi, allv, alli,
                      idx_scr, rows, ret_scr, sem):
    s = lax.axis_index("s")
    base = s * ROWS1
    lane = jnp.arange(LANES, dtype=jnp.int32)
    negs = jnp.full((LANES,), NEG, dtype=jnp.float32)
    bigs = jnp.full((LANES,), BIGI, dtype=jnp.int32)

    pltpu.sync_copy(sims_hbm.at[pl.ds(base, ROWS1)], chunk)

    def _ins_fast(v, gidx, carry):
        b1, b2, b3, i1, i2, i3 = carry
        gt1 = v > b1
        nb1 = jnp.where(gt1, v, b1)
        ni1 = jnp.where(gt1, gidx, i1)
        d2 = jnp.where(gt1, b1, v)
        di2 = jnp.where(gt1, i1, gidx)
        gt2 = d2 > b2
        nb2 = jnp.where(gt2, d2, b2)
        ni2 = jnp.where(gt2, di2, i2)
        d3 = jnp.where(gt2, b2, d2)
        di3 = jnp.where(gt2, i2, di2)
        gt3 = d3 > b3
        nb3 = jnp.where(gt3, d3, b3)
        ni3 = jnp.where(gt3, di3, i3)
        return (nb1, nb2, nb3, ni1, ni2, ni3)

    def body(j, carry):
        for u in range(2):
            v = chunk[pl.ds((2 * j + u) * LANES, LANES)]
            gidx = lane + (base + (2 * j + u) * LANES)
            carry = _ins_fast(v, gidx, carry)
        return carry

    b1, b2, b3, i1, i2, i3 = lax.fori_loop(
        0, VECS1 // 2, body, (negs, negs, negs, bigs, bigs, bigs))
    cvs[pl.ds(0, LANES)] = b1
    cvs[pl.ds(LANES, LANES)] = b2
    cvs[pl.ds(2 * LANES, LANES)] = b3
    cis[pl.ds(0, LANES)] = i1
    cis[pl.ds(LANES, LANES)] = i2
    cis[pl.ds(2 * LANES, LANES)] = i3
    pltpu.sync_copy(cvs, shv.at[pl.ds(s * CAND, CAND)])
    pltpu.sync_copy(cis, shi.at[pl.ds(s * CAND, CAND)])
    plsc.subcore_barrier()

    pltpu.sync_copy(shv, allv)
    pltpu.sync_copy(shi, alli)

    def fold(k, carry):
        v = allv[pl.ds(k * LANES, LANES)]
        ii = alli[pl.ds(k * LANES, LANES)]
        return _insert3(v, ii, carry)

    carry = lax.fori_loop(0, NCAND1 // LANES, fold,
                          (negs, negs, negs, bigs, bigs, bigs))
    for d in (1, 2, 4, 8):
        perm = jnp.bitwise_xor(lane, d)
        b1, b2, b3, i1, i2, i3 = carry
        sb = [_permute(b, perm) for b in (b1, b2, b3)]
        si = [_permute(i, perm) for i in (i1, i2, i3)]
        for r in range(TOP_K):
            carry = _insert3(sb[r], si[r], carry)
    b1, b2, b3, i1, i2, i3 = carry

    e2 = jnp.exp(b2 - b1)
    e3 = jnp.exp(b3 - b1)
    denom = 1.0 + e2 + e3
    a0 = 1.0 / denom
    a1 = e2 / denom
    a2 = e3 / denom

    iv = jnp.where(lane == 0, i1, jnp.where(lane == 1, i2,
                   jnp.where(lane == 2, i3, 0)))
    idx_scr[...] = iv
    pltpu.async_copy(vals_hbm.at[idx_scr], rows, sem).wait()

    for cnk in range(MEM_DIM // LANES):
        ds = pl.ds(cnk * LANES, LANES)
        ret_scr[ds] = (a0 * rows[0, ds] + a1 * rows[1, ds]
                       + a2 * rows[2, ds])

    @pl.when(s == 0)
    def _():
        pltpu.sync_copy(ret_scr, out_hbm)


def _sc_retrieve(sims, mem_vals):
    mesh = plsc.VectorSubcoreMesh(core_axis_name="c", subcore_axis_name="s",
                                  num_cores=1)
    fn = functools.partial(
        pl.kernel, mesh=mesh,
        out_type=jax.ShapeDtypeStruct((MEM_DIM,), jnp.float32),
        scratch_types=[pltpu.VMEM((ROWS1,), jnp.float32),
                       pltpu.VMEM((CAND,), jnp.float32),
                       pltpu.VMEM((CAND,), jnp.int32),
                       pltpu.VMEM_SHARED((NCAND1,), jnp.float32),
                       pltpu.VMEM_SHARED((NCAND1,), jnp.int32),
                       pltpu.VMEM((NCAND1,), jnp.float32),
                       pltpu.VMEM((NCAND1,), jnp.int32),
                       pltpu.VMEM((LANES,), jnp.int32),
                       pltpu.VMEM((LANES, MEM_DIM), jnp.float32),
                       pltpu.VMEM((MEM_DIM,), jnp.float32),
                       pltpu.SemaphoreType.DMA],
    )(_sc_retrieve_body)
    return fn(sims, mem_vals)


def _tc2_body(p_ref, r_ref, Wb_ref, o_ref):
    o_ref[...] = p_ref[...] + jnp.dot(
        r_ref[...], Wb_ref[...], preferred_element_type=jnp.float32)


def _tc2(pout, ret, Wb):
    return pl.pallas_call(
        _tc2_body,
        out_shape=jax.ShapeDtypeStruct((1, OUT_SIZE), jnp.float32),
    )(pout, ret, Wb)


@jax.jit
def kernel(x, W1, b1, W2, b2, Wq, bq, mem_keys, mem_vals, importance, Wout, bout):
    x_last = x[:, -1, :]
    Wt = Wout[:HID]
    Wb = Wout[HID:]
    sims3, pout = _tc1(x_last, W1, b1.reshape(1, HID), W2, b2.reshape(1, HID),
                       Wq, bq.reshape(1, MEM_DIM), Wt, bout.reshape(1, OUT_SIZE),
                       mem_keys, importance)
    sims = sims3
    ret = _sc_retrieve(sims, mem_vals)
    return _tc2(pout, ret.reshape(1, MEM_DIM), Wb)

# --- scband reference (transcript-rebuilt; emitter-appended) ---
"""Pipeline reference for scband-memory-augmented-network-30683246363134 (READ-ONLY COPY).

The authoritative reference and input builder live on the scoring server;
editing this copy changes nothing except your own understanding.
"""

import jax, jax.numpy as jnp
import numpy as np

IN_SIZE = 1024
HID = 1024
MEM_SIZE = 65536
MEM_DIM = 512
OUT_SIZE = 1024
TOP_K = 3


def setup_inputs(seed: int = 0) -> dict:
    key = jax.random.key(seed)
    ks = jax.random.split(key, 12)
    x = jax.random.normal(ks[0], (1, 2048, IN_SIZE), dtype=jnp.float32)
    W1 = jax.random.normal(ks[1], (IN_SIZE, HID), dtype=jnp.float32) * 0.02
    b1 = jnp.zeros((HID,), dtype=jnp.float32)
    W2 = jax.random.normal(ks[2], (HID, HID), dtype=jnp.float32) * 0.02
    b2 = jnp.zeros((HID,), dtype=jnp.float32)
    Wq = jax.random.normal(ks[3], (HID, MEM_DIM), dtype=jnp.float32) * 0.02
    bq = jnp.zeros((MEM_DIM,), dtype=jnp.float32)
    mem_keys = jax.random.normal(ks[4], (MEM_SIZE, MEM_DIM), dtype=jnp.float32)
    mem_vals = jax.random.normal(ks[5], (MEM_SIZE, MEM_DIM), dtype=jnp.float32)
    importance = jax.random.uniform(ks[6], (MEM_SIZE,), dtype=jnp.float32, minval=0.5, maxval=1.5)
    Wout = jax.random.normal(ks[7], (HID + MEM_DIM, OUT_SIZE), dtype=jnp.float32) * 0.02
    bout = jnp.zeros((OUT_SIZE,), dtype=jnp.float32)
    return {"x": x, "W1": W1, "b1": b1, "W2": W2, "b2": b2, "Wq": Wq, "bq": bq,
            "mem_keys": mem_keys, "mem_vals": mem_vals, "importance": importance,
            "Wout": Wout, "bout": bout}


def _normalize(v, axis=-1, eps=1e-12):
    n = jnp.linalg.norm(v, axis=axis, keepdims=True)
    return v / jnp.maximum(n, eps)


def reference(x, W1, b1, W2, b2, Wq, bq, mem_keys, mem_vals, importance, Wout, bout):
    B, S, D = x.shape
    # controller: Linear -> ReLU -> Linear
    h = x.reshape(-1, D)
    h = jax.nn.relu(h @ W1 + b1)
    h = h @ W2 + b2
    h = h.reshape(B, S, -1)
    last_hidden = h[:, -1, :]            # [B, HID], B == 1
    # memory interface: generate query
    query = last_hidden @ Wq + bq        # [1, MEM_DIM]
    # retrieve: cosine similarity weighted by importance
    qn = _normalize(query, axis=-1)
    kn = _normalize(mem_keys, axis=-1)
    sims = (qn @ kn.T).squeeze(0)        # [MEM_SIZE]
    weighted = sims * importance
    top_sims, top_idx = jax.lax.top_k(weighted, TOP_K)
    attn = jax.nn.softmax(top_sims, axis=0)
    top_values = mem_vals[top_idx]       # [TOP_K, MEM_DIM]
    retrieved = jnp.sum(attn[:, None] * top_values, axis=0)  # [MEM_DIM]
    # output layer over concat(hidden, retrieved)
    combined = jnp.concatenate([last_hidden, retrieved[None, :]], axis=-1)
    out = combined @ Wout + bout         # [1, OUT_SIZE]
    return out

if __name__ == "__main__":
    import jax
    _d = setup_inputs()
    print(jax.jit(kernel)(*tuple(_d.values())))

</pallas_src>

<mosaic_0001>
#map = affine_map<(d0, d1) -> (0)>
#map1 = affine_map<(d0, d1) -> (0, 0)>
module attributes {stable_mosaic.version = 14 : i64} {
  func.func @_sc_retrieve_body(%arg0: i32, %arg1: i32, %arg2: memref<65536xf32, #tpu.memory_space<hbm>>, %arg3: memref<65536x512xf32, #tpu.memory_space<hbm>>, %arg4: memref<512xf32, #tpu.memory_space<hbm>>, %arg5: memref<4096xf32, #tpu.memory_space<vmem>>, %arg6: memref<48xf32, #tpu.memory_space<vmem>>, %arg7: memref<48xi32, #tpu.memory_space<vmem>>, %arg8: memref<768xf32, #tpu.memory_space<vmem_shared>>, %arg9: memref<768xi32, #tpu.memory_space<vmem_shared>>, %arg10: memref<768xf32, #tpu.memory_space<vmem>>, %arg11: memref<768xi32, #tpu.memory_space<vmem>>, %arg12: memref<16xi32, #tpu.memory_space<vmem>>, %arg13: memref<16x512xf32, #tpu.memory_space<vmem>>, %arg14: memref<512xf32, #tpu.memory_space<vmem>>, %arg15: memref<!tpu.dma_semaphore, #tpu.memory_space<semaphore_mem>>) attributes {dimension_semantics = [#tpu.dimension_semantics<core_parallel>, #tpu.dimension_semantics<subcore_parallel>], iteration_bounds = array<i64: 1, 16>, scalar_prefetch = 0 : i64, scratch_operands = 11 : i64, tpu.core_type = #tpu.core_type<sc_vector_subcore>, window_params = [{transform_indices = #map}, {transform_indices = #map1}, {transform_indices = #map}]} {
    %mul3A = arith.constant 4096 : i32
    %mul3A_0 = arith.muli %arg1, %mul3A : i32
    %iota3A = tpu.iota {dimensions = array<i32: 0>} : vector<16xi32>
    %broadcast_in_dim3A = arith.constant -3.000000e+38 : f32
    %broadcast_in_dim3A_1 = vector.broadcast %broadcast_in_dim3A : f32 to vector<16xf32>
    %broadcast_in_dim3A_2 = arith.constant 1073741824 : i32
    %broadcast_in_dim3A_3 = vector.broadcast %broadcast_in_dim3A_2 : i32 to vector<16xi32>
    "tpu.region"() ({
      %run_scoped3A = tpu.sem_alloc : memref<!tpu.dma_semaphore, #tpu.memory_space<semaphore_mem>>
      %dma_start3A_1218 = tpu.memref_slice %arg2[%mul3A_0] : memref<65536xf32, #tpu.memory_space<hbm>> -> memref<4096xf32, #tpu.memory_space<hbm>>
      %dma_start3A_1219 = tpu.memref_slice %arg2[%mul3A_0] : memref<65536xf32, #tpu.memory_space<hbm>> -> memref<4096xf32, #tpu.memory_space<hbm>>
      tpu.enqueue_dma source(%dma_start3A_1219 : memref<4096xf32, #tpu.memory_space<hbm>>) target(%arg5 : memref<4096xf32, #tpu.memory_space<vmem>>) target_semaphore(%run_scoped3A : memref<!tpu.dma_semaphore, #tpu.memory_space<semaphore_mem>>)
      %dma_wait3A_1220 = tpu.memref_slice %arg2[%mul3A_0] : memref<65536xf32, #tpu.memory_space<hbm>> -> memref<4096xf32, #tpu.memory_space<hbm>>
      %dma_wait3A_1221 = tpu.memref_slice %arg2[%mul3A_0] : memref<65536xf32, #tpu.memory_space<hbm>> -> memref<4096xf32, #tpu.memory_space<hbm>>
      tpu.wait_dma2 semaphore(%run_scoped3A : memref<!tpu.dma_semaphore, #tpu.memory_space<semaphore_mem>>) src(%dma_wait3A_1221 : memref<4096xf32, #tpu.memory_space<hbm>>) dst(%arg5 : memref<4096xf32, #tpu.memory_space<vmem>>)
      tpu.yield
    }) : () -> ()
    %scan3A = arith.constant 0 : i32
    %scan3A_4 = arith.constant 128 : i32
    %scan3A_5 = arith.addi %scan3A, %scan3A_4 : i32
    %scan3A_6 = arith.constant 1 : i32
    %scan3A_7:6 = scf.for %scan3A_1218 = %scan3A to %scan3A_5 step %scan3A_6 iter_args(%scan3A_1219 = %broadcast_in_dim3A_1, %scan3A_1220 = %broadcast_in_dim3A_1, %scan3A_1221 = %broadcast_in_dim3A_1, %scan3A_1222 = %broadcast_in_dim3A_3, %scan3A_1223 = %broadcast_in_dim3A_3, %scan3A_1224 = %broadcast_in_dim3A_3) -> (vector<16xf32>, vector<16xf32>, vector<16xf32>, vector<16xi32>, vector<16xi32>, vector<16xi32>)  : i32 {
      %mul3A_1225 = arith.constant 2 : i32
      %mul3A_1226 = arith.muli %mul3A_1225, %scan3A_1218 : i32
      %add3A_1227 = arith.constant 0 : i32
      %add3A_1228 = arith.addi %mul3A_1226, %add3A_1227 : i32
      %mul3A_1229 = arith.constant 16 : i32
      %mul3A_1230 = arith.muli %add3A_1228, %mul3A_1229 : i32
      %get3A_1231 = arith.index_cast %mul3A_1230 : i32 to index
      %get3A_1232 = tpu.vector_load %arg5[%get3A_1231] {strides = array<i32>} : memref<4096xf32, #tpu.memory_space<vmem>>, vector<16xf32>,
      %get3A_1233 = vector.shape_cast %get3A_1232 : vector<16xf32> to vector<16xf32>
      %mul3A_1234 = arith.constant 2 : i32
      %mul3A_1235 = arith.muli %mul3A_1234, %scan3A_1218 : i32
      %add3A_1236 = arith.constant 0 : i32
      %add3A_1237 = arith.addi %mul3A_1235, %add3A_1236 : i32
      %mul3A_1238 = arith.constant 16 : i32
      %mul3A_1239 = arith.muli %add3A_1237, %mul3A_1238 : i32
      %add3A_1240 = arith.addi %mul3A_0, %mul3A_1239 : i32
      %add3A_1241 = vector.broadcast %add3A_1240 : i32 to vector<16xi32>
      %add3A_1242 = arith.addi %iota3A, %add3A_1241 : vector<16xi32>
      %gt3A_1243 = arith.cmpf ogt, %get3A_1233, %scan3A_1219 : vector<16xf32>
      %select_n3A_1244 = arith.select %gt3A_1243, %get3A_1233, %scan3A_1219 : vector<16xi1>, vector<16xf32>
      %select_n3A_1245 = arith.select %gt3A_1243, %add3A_1242, %scan3A_1222 : vector<16xi1>, vector<16xi32>
      %select_n3A_1246 = arith.select %gt3A_1243, %scan3A_1219, %get3A_1233 : vector<16xi1>, vector<16xf32>
      %select_n3A_1247 = arith.select %gt3A_1243, %scan3A_1222, %add3A_1242 : vector<16xi1>, vector<16xi32>
      %gt3A_1248 = arith.cmpf ogt, %select_n3A_1246, %scan3A_1220 : vector<16xf32>
      %select_n3A_1249 = arith.select %gt3A_1248, %select_n3A_1246, %scan3A_1220 : vector<16xi1>, vector<16xf32>
      %select_n3A_1250 = arith.select %gt3A_1248, %select_n3A_1247, %scan3A_1223 : vector<16xi1>, vector<16xi32>
      %select_n3A_1251 = arith.select %gt3A_1248, %scan3A_1220, %select_n3A_1246 : vector<16xi1>, vector<16xf32>
      %select_n3A_1252 = arith.select %gt3A_1248, %scan3A_1223, %select_n3A_1247 : vector<16xi1>, vector<16xi32>
      %gt3A_1253 = arith.cmpf ogt, %select_n3A_1251, %scan3A_1221 : vector<16xf32>
      %select_n3A_1254 = arith.select %gt3A_1253, %select_n3A_1251, %scan3A_1221 : vector<16xi1>, vector<16xf32>
      %select_n3A_1255 = arith.select %gt3A_1253, %select_n3A_1252, %scan3A_1224 : vector<16xi1>, vector<16xi32>
      %mul3A_1256 = arith.constant 2 : i32
      %mul3A_1257 = arith.muli %mul3A_1256, %scan3A_1218 : i32
      %add3A_1258 = arith.constant 1 : i32
      %add3A_1259 = arith.addi %mul3A_1257, %add3A_1258 : i32
      %mul3A_1260 = arith.constant 16 : i32
      %mul3A_1261 = arith.muli %add3A_1259, %mul3A_1260 : i32
      %get3A_1262 = arith.index_cast %mul3A_1261 : i32 to index
      %get3A_1263 = tpu.vector_load %arg5[%get3A_1262] {strides = array<i32>} : memref<4096xf32, #tpu.memory_space<vmem>>, vector<16xf32>,
      %get3A_1264 = vector.shape_cast %get3A_1263 : vector<16xf32> to vector<16xf32>
      %mul3A_1265 = arith.constant 2 : i32
      %mul3A_1266 = arith.muli %mul3A_1265, %scan3A_1218 : i32
      %add3A_1267 = arith.constant 1 : i32
      %add3A_1268 = arith.addi %mul3A_1266, %add3A_1267 : i32
      %mul3A_1269 = arith.constant 16 : i32
      %mul3A_1270 = arith.muli %add3A_1268, %mul3A_1269 : i32
      %add3A_1271 = arith.addi %mul3A_0, %mul3A_1270 : i32
      %add3A_1272 = vector.broadcast %add3A_1271 : i32 to vector<16xi32>
      %add3A_1273 = arith.addi %iota3A, %add3A_1272 : vector<16xi32>
      %gt3A_1274 = arith.cmpf ogt, %get3A_1264, %select_n3A_1244 : vector<16xf32>
      %select_n3A_1275 = arith.select %gt3A_1274, %get3A_1264, %select_n3A_1244 : vector<16xi1>, vector<16xf32>
      %select_n3A_1276 = arith.select %gt3A_1274, %add3A_1273, %select_n3A_1245 : vector<16xi1>, vector<16xi32>
      %select_n3A_1277 = arith.select %gt3A_1274, %select_n3A_1244, %get3A_1264 : vector<16xi1>, vector<16xf32>
      %select_n3A_1278 = arith.select %gt3A_1274, %select_n3A_1245, %add3A_1273 : vector<16xi1>, vector<16xi32>
      %gt3A_1279 = arith.cmpf ogt, %select_n3A_1277, %select_n3A_1249 : vector<16xf32>
      %select_n3A_1280 = arith.select %gt3A_1279, %select_n3A_1277, %select_n3A_1249 : vector<16xi1>, vector<16xf32>
      %select_n3A_1281 = arith.select %gt3A_1279, %select_n3A_1278, %select_n3A_1250 : vector<16xi1>, vector<16xi32>
      %select_n3A_1282 = arith.select %gt3A_1279, %select_n3A_1249, %select_n3A_1277 : vector<16xi1>, vector<16xf32>
      %select_n3A_1283 = arith.select %gt3A_1279, %select_n3A_1250, %select_n3A_1278 : vector<16xi1>, vector<16xi32>
      %gt3A_1284 = arith.cmpf ogt, %select_n3A_1282, %select_n3A_1254 : vector<16xf32>
      %select_n3A_1285 = arith.select %gt3A_1284, %select_n3A_1282, %select_n3A_1254 : vector<16xi1>, vector<16xf32>
      %select_n3A_1286 = arith.select %gt3A_1284, %select_n3A_1283, %select_n3A_1255 : vector<16xi1>, vector<16xi32>
      scf.yield %select_n3A_1275, %select_n3A_1280, %select_n3A_1285, %select_n3A_1276, %select_n3A_1281, %select_n3A_1286 : vector<16xf32>, vector<16xf32>, vector<16xf32>, vector<16xi32>, vector<16xi32>, vector<16xi32>
    }
    %scan3A_8 = arith.constant 128 : i32
    %swap3A = arith.constant 0 : index
    %swap3A_9 = tpu.vector_load %arg6[%swap3A] {strides = array<i32>} : memref<48xf32, #tpu.memory_space<vmem>>, vector<16xf32>,
    %swap3A_10 = vector.shape_cast %swap3A_9 : vector<16xf32> to vector<16xf32>
    %swap3A_11 = vector.shape_cast %scan3A_7#0 : vector<16xf32> to vector<16xf32>
    tpu.vector_store %arg6[%swap3A], %swap3A_11 {strides = array<i32>} : memref<48xf32, #tpu.memory_space<vmem>>, vector<16xf32>,
    %swap3A_12 = arith.constant 16 : index
    %swap3A_13 = tpu.vector_load %arg6[%swap3A_12] {strides = array<i32>} : memref<48xf32, #tpu.memory_space<vmem>>, vector<16xf32>,
    %swap3A_14 = vector.shape_cast %swap3A_13 : vector<16xf32> to vector<16xf32>
    %swap3A_15 = vector.shape_cast %scan3A_7#1 : vector<16xf32> to vector<16xf32>
    tpu.vector_store %arg6[%swap3A_12], %swap3A_15 {strides = array<i32>} : memref<48xf32, #tpu.memory_space<vmem>>, vector<16xf32>,
    %swap3A_16 = arith.constant 32 : index
    %swap3A_17 = tpu.vector_load %arg6[%swap3A_16] {strides = array<i32>} : memref<48xf32, #tpu.memory_space<vmem>>, vector<16xf32>,
    %swap3A_18 = vector.shape_cast %swap3A_17 : vector<16xf32> to vector<16xf32>
    %swap3A_19 = vector.shape_cast %scan3A_7#2 : vector<16xf32> to vector<16xf32>
    tpu.vector_store %arg6[%swap3A_16], %swap3A_19 {strides = array<i32>} : memref<48xf32, #tpu.memory_space<vmem>>, vector<16xf32>,
    %swap3A_20 = arith.constant 0 : index
    %swap3A_21 = tpu.vector_load %arg7[%swap3A_20] {strides = array<i32>} : memref<48xi32, #tpu.memory_space<vmem>>, vector<16xi32>,
    %swap3A_22 = vector.shape_cast %swap3A_21 : vector<16xi32> to vector<16xi32>
    %swap3A_23 = vector.shape_cast %scan3A_7#3 : vector<16xi32> to vector<16xi32>
    tpu.vector_store %arg7[%swap3A_20], %swap3A_23 {strides = array<i32>} : memref<48xi32, #tpu.memory_space<vmem>>, vector<16xi32>,
    %swap3A_24 = arith.constant 16 : index
    %swap3A_25 = tpu.vector_load %arg7[%swap3A_24] {strides = array<i32>} : memref<48xi32, #tpu.memory_space<vmem>>, vector<16xi32>,
    %swap3A_26 = vector.shape_cast %swap3A_25 : vector<16xi32> to vector<16xi32>
    %swap3A_27 = vector.shape_cast %scan3A_7#4 : vector<16xi32> to vector<16xi32>
    tpu.vector_store %arg7[%swap3A_24], %swap3A_27 {strides = array<i32>} : memref<48xi32, #tpu.memory_space<vmem>>, vector<16xi32>,
    %swap3A_28 = arith.constant 32 : index
    %swap3A_29 = tpu.vector_load %arg7[%swap3A_28] {strides = array<i32>} : memref<48xi32, #tpu.memory_space<vmem>>, vector<16xi32>,
    %swap3A_30 = vector.shape_cast %swap3A_29 : vector<16xi32> to vector<16xi32>
    %swap3A_31 = vector.shape_cast %scan3A_7#5 : vector<16xi32> to vector<16xi32>
    tpu.vector_store %arg7[%swap3A_28], %swap3A_31 {strides = array<i32>} : memref<48xi32, #tpu.memory_space<vmem>>, vector<16xi32>,
    %mul3A_32 = arith.constant 48 : i32
    %mul3A_33 = arith.muli %arg1, %mul3A_32 : i32
    "tpu.region"() ({
      %run_scoped3A = tpu.sem_alloc : memref<!tpu.dma_semaphore, #tpu.memory_space<semaphore_mem>>
      %dma_start3A_1218 = tpu.memref_slice %arg8[%mul3A_33] : memref<768xf32, #tpu.memory_space<vmem_shared>> -> memref<48xf32, #tpu.memory_space<vmem_shared>>
      %dma_start3A_1219 = tpu.memref_slice %arg8[%mul3A_33] : memref<768xf32, #tpu.memory_space<vmem_shared>> -> memref<48xf32, #tpu.memory_space<vmem_shared>>
      tpu.enqueue_dma source(%arg6 : memref<48xf32, #tpu.memory_space<vmem>>) target(%dma_start3A_1219 : memref<48xf32, #tpu.memory_space<vmem_shared>>) target_semaphore(%run_scoped3A : memref<!tpu.dma_semaphore, #tpu.memory_space<semaphore_mem>>)
      %dma_wait3A_1220 = tpu.memref_slice %arg8[%mul3A_33] : memref<768xf32, #tpu.memory_space<vmem_shared>> -> memref<48xf32, #tpu.memory_space<vmem_shared>>
      %dma_wait3A_1221 = tpu.memref_slice %arg8[%mul3A_33] : memref<768xf32, #tpu.memory_space<vmem_shared>> -> memref<48xf32, #tpu.memory_space<vmem_shared>>
      tpu.wait_dma2 semaphore(%run_scoped3A : memref<!tpu.dma_semaphore, #tpu.memory_space<semaphore_mem>>) src(%arg6 : memref<48xf32, #tpu.memory_space<vmem>>) dst(%dma_wait3A_1221 : memref<48xf32, #tpu.memory_space<vmem_shared>>)
      tpu.yield
    }) : () -> ()
    %mul3A_34 = arith.constant 48 : i32
    %mul3A_35 = arith.muli %arg1, %mul3A_34 : i32
    "tpu.region"() ({
      %run_scoped3A = tpu.sem_alloc : memref<!tpu.dma_semaphore, #tpu.memory_space<semaphore_mem>>
      %dma_start3A_1218 = tpu.memref_slice %arg9[%mul3A_35] : memref<768xi32, #tpu.memory_space<vmem_shared>> -> memref<48xi32, #tpu.memory_space<vmem_shared>>
      %dma_start3A_1219 = tpu.memref_slice %arg9[%mul3A_35] : memref<768xi32, #tpu.memory_space<vmem_shared>> -> memref<48xi32, #tpu.memory_space<vmem_shared>>
      tpu.enqueue_dma source(%arg7 : memref<48xi32, #tpu.memory_space<vmem>>) target(%dma_start3A_1219 : memref<48xi32, #tpu.memory_space<vmem_shared>>) target_semaphore(%run_scoped3A : memref<!tpu.dma_semaphore, #tpu.memory_space<semaphore_mem>>)
      %dma_wait3A_1220 = tpu.memref_slice %arg9[%mul3A_35] : memref<768xi32, #tpu.memory_space<vmem_shared>> -> memref<48xi32, #tpu.memory_space<vmem_shared>>
      %dma_wait3A_1221 = tpu.memref_slice %arg9[%mul3A_35] : memref<768xi32, #tpu.memory_space<vmem_shared>> -> memref<48xi32, #tpu.memory_space<vmem_shared>>
      tpu.wait_dma2 semaphore(%run_scoped3A : memref<!tpu.dma_semaphore, #tpu.memory_space<semaphore_mem>>) src(%arg7 : memref<48xi32, #tpu.memory_space<vmem>>) dst(%dma_wait3A_1221 : memref<48xi32, #tpu.memory_space<vmem_shared>>)
      tpu.yield
    }) : () -> ()
    %barrier3A = arith.constant 0 : index
    tpu.barrier barrier_id(%barrier3A)
    "tpu.region"() ({
      %run_scoped3A = tpu.sem_alloc : memref<!tpu.dma_semaphore, #tpu.memory_space<semaphore_mem>>
      tpu.enqueue_dma source(%arg8 : memref<768xf32, #tpu.memory_space<vmem_shared>>) target(%arg10 : memref<768xf32, #tpu.memory_space<vmem>>) target_semaphore(%run_scoped3A : memref<!tpu.dma_semaphore, #tpu.memory_space<semaphore_mem>>)
      tpu.wait_dma2 semaphore(%run_scoped3A : memref<!tpu.dma_semaphore, #tpu.memory_space<semaphore_mem>>) src(%arg8 : memref<768xf32, #tpu.memory_space<vmem_shared>>) dst(%arg10 : memref<768xf32, #tpu.memory_space<vmem>>)
      tpu.yield
    }) : () -> ()
    "tpu.region"() ({
      %run_scoped3A = tpu.sem_alloc : memref<!tpu.dma_semaphore, #tpu.memory_space<semaphore_mem>>
      tpu.enqueue_dma source(%arg9 : memref<768xi32, #tpu.memory_space<vmem_shared>>) target(%arg11 : memref<768xi32, #tpu.memory_space<vmem>>) target_semaphore(%run_scoped3A : memref<!tpu.dma_semaphore, #tpu.memory_space<semaphore_mem>>)
      tpu.wait_dma2 semaphore(%run_scoped3A : memref<!tpu.dma_semaphore, #tpu.memory_space<semaphore_mem>>) src(%arg9 : memref<768xi32, #tpu.memory_space<vmem_shared>>) dst(%arg11 : memref<768xi32, #tpu.memory_space<vmem>>)
      tpu.yield
    }) : () -> ()
    %scan3A_36 = arith.constant 0 : i32
    %scan3A_37 = arith.constant 48 : i32
    %scan3A_38 = arith.addi %scan3A_36, %scan3A_37 : i32
    %scan3A_39 = arith.constant 1 : i32
    %scan3A_40:6 = scf.for %scan3A_1218 = %scan3A_36 to %scan3A_38 step %scan3A_39 iter_args(%scan3A_1219 = %broadcast_in_dim3A_1, %scan3A_1220 = %broadcast_in_dim3A_1, %scan3A_1221 = %broadcast_in_dim3A_1, %scan3A_1222 = %broadcast_in_dim3A_3, %scan3A_1223 = %broadcast_in_dim3A_3, %scan3A_1224 = %broadcast_in_dim3A_3) -> (vector<16xf32>, vector<16xf32>, vector<16xf32>, vector<16xi32>, vector<16xi32>, vector<16xi32>)  : i32 {
      %mul3A_1225 = arith.constant 16 : i32
      %mul3A_1226 = arith.muli %scan3A_1218, %mul3A_1225 : i32
      %get3A_1227 = arith.index_cast %mul3A_1226 : i32 to index
      %get3A_1228 = tpu.vector_load %arg10[%get3A_1227] {strides = array<i32>} : memref<768xf32, #tpu.memory_space<vmem>>, vector<16xf32>,
      %get3A_1229 = vector.shape_cast %get3A_1228 : vector<16xf32> to vector<16xf32>
      %mul3A_1230 = arith.constant 16 : i32
      %mul3A_1231 = arith.muli %scan3A_1218, %mul3A_1230 : i32
      %get3A_1232 = arith.index_cast %mul3A_1231 : i32 to index
      %get3A_1233 = tpu.vector_load %arg11[%get3A_1232] {strides = array<i32>} : memref<768xi32, #tpu.memory_space<vmem>>, vector<16xi32>,
      %get3A_1234 = vector.shape_cast %get3A_1233 : vector<16xi32> to vector<16xi32>
      %gt3A_1235 = arith.cmpf ogt, %get3A_1229, %scan3A_1219 : vector<16xf32>
      %eq3A_1236 = arith.cmpf oeq, %get3A_1229, %scan3A_1219 : vector<16xf32>
      %lt3A_1237 = arith.cmpi slt, %get3A_1234, %scan3A_1222 : vector<16xi32>
      %and3A_1238 = arith.andi %eq3A_1236, %lt3A_1237 : vector<16xi1>
      %or3A_1239 = arith.ori %gt3A_1235, %and3A_1238 : vector<16xi1>
      %select_n3A_1240 = arith.select %or3A_1239, %get3A_1229, %scan3A_1219 : vector<16xi1>, vector<16xf32>
      %select_n3A_1241 = arith.select %or3A_1239, %get3A_1234, %scan3A_1222 : vector<16xi1>, vector<16xi32>
      %select_n3A_1242 = arith.select %or3A_1239, %scan3A_1219, %get3A_1229 : vector<16xi1>, vector<16xf32>
      %select_n3A_1243 = arith.select %or3A_1239, %scan3A_1222, %get3A_1234 : vector<16xi1>, vector<16xi32>
      %gt3A_1244 = arith.cmpf ogt, %select_n3A_1242, %scan3A_1220 : vector<16xf32>
      %eq3A_1245 = arith.cmpf oeq, %select_n3A_1242, %scan3A_1220 : vector<16xf32>
      %lt3A_1246 = arith.cmpi slt, %select_n3A_1243, %scan3A_1223 : vector<16xi32>
      %and3A_1247 = arith.andi %eq3A_1245, %lt3A_1246 : vector<16xi1>
      %or3A_1248 = arith.ori %gt3A_1244, %and3A_1247 : vector<16xi1>
      %select_n3A_1249 = arith.select %or3A_1248, %select_n3A_1242, %scan3A_1220 : vector<16xi1>, vector<16xf32>
      %select_n3A_1250 = arith.select %or3A_1248, %select_n3A_1243, %scan3A_1223 : vector<16xi1>, vector<16xi32>
      %select_n3A_1251 = arith.select %or3A_1248, %scan3A_1220, %select_n3A_1242 : vector<16xi1>, vector<16xf32>
      %select_n3A_1252 = arith.select %or3A_1248, %scan3A_1223, %select_n3A_1243 : vector<16xi1>, vector<16xi32>
      %gt3A_1253 = arith.cmpf ogt, %select_n3A_1251, %scan3A_1221 : vector<16xf32>
      %eq3A_1254 = arith.cmpf oeq, %select_n3A_1251, %scan3A_1221 : vector<16xf32>
      %lt3A_1255 = arith.cmpi slt, %select_n3A_1252, %scan3A_1224 : vector<16xi32>
      %and3A_1256 = arith.andi %eq3A_1254, %lt3A_1255 : vector<16xi1>
      %or3A_1257 = arith.ori %gt3A_1253, %and3A_1256 : vector<16xi1>
      %select_n3A_1258 = arith.select %or3A_1257, %select_n3A_1251, %scan3A_1221 : vector<16xi1>, vector<16xf32>
      %select_n3A_1259 = arith.select %or3A_1257, %select_n3A_1252, %scan3A_1224 : vector<16xi1>, vector<16xi32>
      scf.yield %select_n3A_1240, %select_n3A_1249, %select_n3A_1258, %select_n3A_1241, %select_n3A_1250, %select_n3A_1259 : vector<16xf32>, vector<16xf32>, vector<16xf32>, vector<16xi32>, vector<16xi32>, vector<16xi32>
    }
    %scan3A_41 = arith.constant 48 : i32
    %xor3A = arith.constant 1 : i32
    %xor3A_42 = vector.broadcast %xor3A : i32 to vector<16xi32>
    %xor3A_43 = arith.xori %iota3A, %xor3A_42 : vector<16xi32>
    %broadcast_in_dim3A_44 = vector.shape_cast %xor3A_43 : vector<16xi32> to vector<16x1xi32>
    %gather3A = vector.shape_cast %broadcast_in_dim3A_44 : vector<16x1xi32> to vector<16xi32>
    %gather3A_45 = tpu.dynamic_gather %scan3A_40#0[%gather3A] in [0] : vector<16xf32>, vector<16xi32> -> vector<16xf32>
    %broadcast_in_dim3A_46 = vector.shape_cast %xor3A_43 : vector<16xi32> to vector<16x1xi32>
    %gather3A_47 = vector.shape_cast %broadcast_in_dim3A_46 : vector<16x1xi32> to vector<16xi32>
    %gather3A_48 = tpu.dynamic_gather %scan3A_40#1[%gather3A_47] in [0] : vector<16xf32>, vector<16xi32> -> vector<16xf32>
    %broadcast_in_dim3A_49 = vector.shape_cast %xor3A_43 : vector<16xi32> to vector<16x1xi32>
    %gather3A_50 = vector.shape_cast %broadcast_in_dim3A_49 : vector<16x1xi32> to vector<16xi32>
    %gather3A_51 = tpu.dynamic_gather %scan3A_40#2[%gather3A_50] in [0] : vector<16xf32>, vector<16xi32> -> vector<16xf32>
    %broadcast_in_dim3A_52 = vector.shape_cast %xor3A_43 : vector<16xi32> to vector<16x1xi32>
    %gather3A_53 = vector.shape_cast %broadcast_in_dim3A_52 : vector<16x1xi32> to vector<16xi32>
    %gather3A_54 = tpu.dynamic_gather %scan3A_40#3[%gather3A_53] in [0] : vector<16xi32>, vector<16xi32> -> vector<16xi32>
    %broadcast_in_dim3A_55 = vector.shape_cast %xor3A_43 : vector<16xi32> to vector<16x1xi32>
    %gather3A_56 = vector.shape_cast %broadcast_in_dim3A_55 : vector<16x1xi32> to vector<16xi32>
    %gather3A_57 = tpu.dynamic_gather %scan3A_40#4[%gather3A_56] in [0] : vector<16xi32>, vector<16xi32> -> vector<16xi32>
    %broadcast_in_dim3A_58 = vector.shape_cast %xor3A_43 : vector<16xi32> to vector<16x1xi32>
    %gather3A_59 = vector.shape_cast %broadcast_in_dim3A_58 : vector<16x1xi32> to vector<16xi32>
    %gather3A_60 = tpu.dynamic_gather %scan3A_40#5[%gather3A_59] in [0] : vector<16xi32>, vector<16xi32> -> vector<16xi32>
    %gt3A = arith.cmpf ogt, %gather3A_45, %scan3A_40#0 : vector<16xf32>
    %eq3A = arith.cmpf oeq, %gather3A_45, %scan3A_40#0 : vector<16xf32>
    %lt3A = arith.cmpi slt, %gather3A_54, %scan3A_40#3 : vector<16xi32>
    %and3A = arith.andi %eq3A, %lt3A : vector<16xi1>
    %or3A = arith.ori %gt3A, %and3A : vector<16xi1>
    %select_n3A = arith.select %or3A, %gather3A_45, %scan3A_40#0 : vector<16xi1>, vector<16xf32>
    %select_n3A_61 = arith.select %or3A, %gather3A_54, %scan3A_40#3 : vector<16xi1>, vector<16xi32>
    %select_n3A_62 = arith.select %or3A, %scan3A_40#0, %gather3A_45 : vector<16xi1>, vector<16xf32>
    %select_n3A_63 = arith.select %or3A, %scan3A_40#3, %gather3A_54 : vector<16xi1>, vector<16xi32>
    %gt3A_64 = arith.cmpf ogt, %select_n3A_62, %scan3A_40#1 : vector<16xf32>
    %eq3A_65 = arith.cmpf oeq, %select_n3A_62, %scan3A_40#1 : vector<16xf32>
    %lt3A_66 = arith.cmpi slt, %select_n3A_63, %scan3A_40#4 : vector<16xi32>
    %and3A_67 = arith.andi %eq3A_65, %lt3A_66 : vector<16xi1>
    %or3A_68 = arith.ori %gt3A_64, %and3A_67 : vector<16xi1>
    %select_n3A_69 = arith.select %or3A_68, %select_n3A_62, %scan3A_40#1 : vector<16xi1>, vector<16xf32>
    %select_n3A_70 = arith.select %or3A_68, %select_n3A_63, %scan3A_40#4 : vector<16xi1>, vector<16xi32>
    %select_n3A_71 = arith.select %or3A_68, %scan3A_40#1, %select_n3A_62 : vector<16xi1>, vector<16xf32>
    %select_n3A_72 = arith.select %or3A_68, %scan3A_40#4, %select_n3A_63 : vector<16xi1>, vector<16xi32>
    %gt3A_73 = arith.cmpf ogt, %select_n3A_71, %scan3A_40#2 : vector<16xf32>
    %eq3A_74 = arith.cmpf oeq, %select_n3A_71, %scan3A_40#2 : vector<16xf32>
    %lt3A_75 = arith.cmpi slt, %select_n3A_72, %scan3A_40#5 : vector<16xi32>
    %and3A_76 = arith.andi %eq3A_74, %lt3A_75 : vector<16xi1>
    %or3A_77 = arith.ori %gt3A_73, %and3A_76 : vector<16xi1>
    %select_n3A_78 = arith.select %or3A_77, %select_n3A_71, %scan3A_40#2 : vector<16xi1>, vector<16xf32>
    %select_n3A_79 = arith.select %or3A_77, %select_n3A_72, %scan3A_40#5 : vector<16xi1>, vector<16xi32>
    %gt3A_80 = arith.cmpf ogt, %gather3A_48, %select_n3A : vector<16xf32>
    %eq3A_81 = arith.cmpf oeq, %gather3A_48, %select_n3A : vector<16xf32>
    %lt3A_82 = arith.cmpi slt, %gather3A_57, %select_n3A_61 : vector<16xi32>
    %and3A_83 = arith.andi %eq3A_81, %lt3A_82 : vector<16xi1>
    %or3A_84 = arith.ori %gt3A_80, %and3A_83 : vector<16xi1>
    %select_n3A_85 = arith.select %or3A_84, %gather3A_48, %select_n3A : vector<16xi1>, vector<16xf32>
    %select_n3A_86 = arith.select %or3A_84, %gather3A_57, %select_n3A_61 : vector<16xi1>, vector<16xi32>
    %select_n3A_87 = arith.select %or3A_84, %select_n3A, %gather3A_48 : vector<16xi1>, vector<16xf32>
    %select_n3A_88 = arith.select %or3A_84, %select_n3A_61, %gather3A_57 : vector<16xi1>, vector<16xi32>
    %gt3A_89 = arith.cmpf ogt, %select_n3A_87, %select_n3A_69 : vector<16xf32>
    %eq3A_90 = arith.cmpf oeq, %select_n3A_87, %select_n3A_69 : vector<16xf32>
    %lt3A_91 = arith.cmpi slt, %select_n3A_88, %select_n3A_70 : vector<16xi32>
    %and3A_92 = arith.andi %eq3A_90, %lt3A_91 : vector<16xi1>
    %or3A_93 = arith.ori %gt3A_89, %and3A_92 : vector<16xi1>
    %select_n3A_94 = arith.select %or3A_93, %select_n3A_87, %select_n3A_69 : vector<16xi1>, vector<16xf32>
    %select_n3A_95 = arith.select %or3A_93, %select_n3A_88, %select_n3A_70 : vector<16xi1>, vector<16xi32>
    %select_n3A_96 = arith.select %or3A_93, %select_n3A_69, %select_n3A_87 : vector<16xi1>, vector<16xf32>
    %select_n3A_97 = arith.select %or3A_93, %select_n3A_70, %select_n3A_88 : vector<16xi1>, vector<16xi32>
    %gt3A_98 = arith.cmpf ogt, %select_n3A_96, %select_n3A_78 : vector<16xf32>
    %eq3A_99 = arith.cmpf oeq, %select_n3A_96, %select_n3A_78 : vector<16xf32>
    %lt3A_100 = arith.cmpi slt, %select_n3A_97, %select_n3A_79 : vector<16xi32>
    %and3A_101 = arith.andi %eq3A_99, %lt3A_100 : vector<16xi1>
    %or3A_102 = arith.ori %gt3A_98, %and3A_101 : vector<16xi1>
    %select_n3A_103 = arith.select %or3A_102, %select_n3A_96, %select_n3A_78 : vector<16xi1>, vector<16xf32>
    %select_n3A_104 = arith.select %or3A_102, %select_n3A_97, %select_n3A_79 : vector<16xi1>, vector<16xi32>
    %gt3A_105 = arith.cmpf ogt, %gather3A_51, %select_n3A_85 : vector<16xf32>
    %eq3A_106 = arith.cmpf oeq, %gather3A_51, %select_n3A_85 : vector<16xf32>
    %lt3A_107 = arith.cmpi slt, %gather3A_60, %select_n3A_86 : vector<16xi32>
    %and3A_108 = arith.andi %eq3A_106, %lt3A_107 : vector<16xi1>
    %or3A_109 = arith.ori %gt3A_105, %and3A_108 : vector<16xi1>
    %select_n3A_110 = arith.select %or3A_109, %gather3A_51, %select_n3A_85 : vector<16xi1>, vector<16xf32>
    %select_n3A_111 = arith.select %or3A_109, %gather3A_60, %select_n3A_86 : vector<16xi1>, vector<16xi32>
    %select_n3A_112 = arith.select %or3A_109, %select_n3A_85, %gather3A_51 : vector<16xi1>, vector<16xf32>
    %select_n3A_113 = arith.select %or3A_109, %select_n3A_86, %gather3A_60 : vector<16xi1>, vector<16xi32>
    %gt3A_114 = arith.cmpf ogt, %select_n3A_112, %select_n3A_94 : vector<16xf32>
    %eq3A_115 = arith.cmpf oeq, %select_n3A_112, %select_n3A_94 : vector<16xf32>
    %lt3A_116 = arith.cmpi slt, %select_n3A_113, %select_n3A_95 : vector<16xi32>
    %and3A_117 = arith.andi %eq3A_115, %lt3A_116 : vector<16xi1>
    %or3A_118 = arith.ori %gt3A_114, %and3A_117 : vector<16xi1>
    %select_n3A_119 = arith.select %or3A_118, %select_n3A_112, %select_n3A_94 : vector<16xi1>, vector<16xf32>
    %select_n3A_120 = arith.select %or3A_118, %select_n3A_113, %select_n3A_95 : vector<16xi1>, vector<16xi32>
    %select_n3A_121 = arith.select %or3A_118, %select_n3A_94, %select_n3A_112 : vector<16xi1>, vector<16xf32>
    %select_n3A_122 = arith.select %or3A_118, %select_n3A_95, %select_n3A_113 : vector<16xi1>, vector<16xi32>
    %gt3A_123 = arith.cmpf ogt, %select_n3A_121, %select_n3A_103 : vector<16xf32>
    %eq3A_124 = arith.cmpf oeq, %select_n3A_121, %select_n3A_103 : vector<16xf32>
    %lt3A_125 = arith.cmpi slt, %select_n3A_122, %select_n3A_104 : vector<16xi32>
    %and3A_126 = arith.andi %eq3A_124, %lt3A_125 : vector<16xi1>
    %or3A_127 = arith.ori %gt3A_123, %and3A_126 : vector<16xi1>
    %select_n3A_128 = arith.select %or3A_127, %select_n3A_121, %select_n3A_103 : vector<16xi1>, vector<16xf32>
    %select_n3A_129 = arith.select %or3A_127, %select_n3A_122, %select_n3A_104 : vector<16xi1>, vector<16xi32>
    %xor3A_130 = arith.constant 2 : i32
    %xor3A_131 = vector.broadcast %xor3A_130 : i32 to vector<16xi32>
    %xor3A_132 = arith.xori %iota3A, %xor3A_131 : vector<16xi32>
    %broadcast_in_dim3A_133 = vector.shape_cast %xor3A_132 : vector<16xi32> to vector<16x1xi32>
    %gather3A_134 = vector.shape_cast %broadcast_in_dim3A_133 : vector<16x1xi32> to vector<16xi32>
    %gather3A_135 = tpu.dynamic_gather %select_n3A_110[%gather3A_134] in [0] : vector<16xf32>, vector<16xi32> -> vector<16xf32>
    %broadcast_in_dim3A_136 = vector.shape_cast %xor3A_132 : vector<16xi32> to vector<16x1xi32>
    %gather3A_137 = vector.shape_cast %broadcast_in_dim3A_136 : vector<16x1xi32> to vector<16xi32>
    %gather3A_138 = tpu.dynamic_gather %select_n3A_119[%gather3A_137] in [0] : vector<16xf32>, vector<16xi32> -> vector<16xf32>
    %broadcast_in_dim3A_139 = vector.shape_cast %xor3A_132 : vector<16xi32> to vector<16x1xi32>
    %gather3A_140 = vector.shape_cast %broadcast_in_dim3A_139 : vector<16x1xi32> to vector<16xi32>
    %gather3A_141 = tpu.dynamic_gather %select_n3A_128[%gather3A_140] in [0] : vector<16xf32>, vector<16xi32> -> vector<16xf32>
    %broadcast_in_dim3A_142 = vector.shape_cast %xor3A_132 : vector<16xi32> to vector<16x1xi32>
    %gather3A_143 = vector.shape_cast %broadcast_in_dim3A_142 : vector<16x1xi32> to vector<16xi32>
    %gather3A_144 = tpu.dynamic_gather %select_n3A_111[%gather3A_143] in [0] : vector<16xi32>, vector<16xi32> -> vector<16xi32>
    %broadcast_in_dim3A_145 = vector.shape_cast %xor3A_132 : vector<16xi32> to vector<16x1xi32>
    %gather3A_146 = vector.shape_cast %broadcast_in_dim3A_145 : vector<16x1xi32> to vector<16xi32>
    %gather3A_147 = tpu.dynamic_gather %select_n3A_120[%gather3A_146] in [0] : vector<16xi32>, vector<16xi32> -> vector<16xi32>
    %broadcast_in_dim3A_148 = vector.shape_cast %xor3A_132 : vector<16xi32> to vector<16x1xi32>
    %gather3A_149 = vector.shape_cast %broadcast_in_dim3A_148 : vector<16x1xi32> to vector<16xi32>
    %gather3A_150 = tpu.dynamic_gather %select_n3A_129[%gather3A_149] in [0] : vector<16xi32>, vector<16xi32> -> vector<16xi32>
    %gt3A_151 = arith.cmpf ogt, %gather3A_135, %select_n3A_110 : vector<16xf32>
    %eq3A_152 = arith.cmpf oeq, %gather3A_135, %select_n3A_110 : vector<16xf32>
    %lt3A_153 = arith.cmpi slt, %gather3A_144, %select_n3A_111 : vector<16xi32>
    %and3A_154 = arith.andi %eq3A_152, %lt3A_153 : vector<16xi1>
    %or3A_155 = arith.ori %gt3A_151, %and3A_154 : vector<16xi1>
    %select_n3A_156 = arith.select %or3A_155, %gather3A_135, %select_n3A_110 : vector<16xi1>, vector<16xf32>
    %select_n3A_157 = arith.select %or3A_155, %gather3A_144, %select_n3A_111 : vector<16xi1>, vector<16xi32>
    %select_n3A_158 = arith.select %or3A_155, %select_n3A_110, %gather3A_135 : vector<16xi1>, vector<16xf32>
    %select_n3A_159 = arith.select %or3A_155, %select_n3A_111, %gather3A_144 : vector<16xi1>, vector<16xi32>
    %gt3A_160 = arith.cmpf ogt, %select_n3A_158, %select_n3A_119 : vector<16xf32>
    %eq3A_161 = arith.cmpf oeq, %select_n3A_158, %select_n3A_119 : vector<16xf32>
    %lt3A_162 = arith.cmpi slt, %select_n3A_159, %select_n3A_120 : vector<16xi32>
    %and3A_163 = arith.andi %eq3A_161, %lt3A_162 : vector<16xi1>
    %or3A_164 = arith.ori %gt3A_160, %and3A_163 : vector<16xi1>
    %select_n3A_165 = arith.select %or3A_164, %select_n3A_158, %select_n3A_119 : vector<16xi1>, vector<16xf32>
    %select_n3A_166 = arith.select %or3A_164, %select_n3A_159, %select_n3A_120 : vector<16xi1>, vector<16xi32>
    %select_n3A_167 = arith.select %or3A_164, %select_n3A_119, %select_n3A_158 : vector<16xi1>, vector<16xf32>
    %select_n3A_168 = arith.select %or3A_164, %select_n3A_120, %select_n3A_159 : vector<16xi1>, vector<16xi32>
    %gt3A_169 = arith.cmpf ogt, %select_n3A_167, %select_n3A_128 : vector<16xf32>
    %eq3A_170 = arith.cmpf oeq, %select_n3A_167, %select_n3A_128 : vector<16xf32>
    %lt3A_171 = arith.cmpi slt, %select_n3A_168, %select_n3A_129 : vector<16xi32>
    %and3A_172 = arith.andi %eq3A_170, %lt3A_171 : vector<16xi1>
    %or3A_173 = arith.ori %gt3A_169, %and3A_172 : vector<16xi1>
    %select_n3A_174 = arith.select %or3A_173, %select_n3A_167, %select_n3A_128 : vector<16xi1>, vector<16xf32>
    %select_n3A_175 = arith.select %or3A_173, %select_n3A_168, %select_n3A_129 : vector<16xi1>, vector<16xi32>
    %gt3A_176 = arith.cmpf ogt, %gather3A_138, %select_n3A_156 : vector<16xf32>
    %eq3A_177 = arith.cmpf oeq, %gather3A_138, %select_n3A_156 : vector<16xf32>
    %lt3A_178 = arith.cmpi slt, %gather3A_147, %select_n3A_157 : vector<16xi32>
    %and3A_179 = arith.andi %eq3A_177, %lt3A_178 : vector<16xi1>
    %or3A_180 = arith.ori %gt3A_176, %and3A_179 : vector<16xi1>
    %select_n3A_181 = arith.select %or3A_180, %gather3A_138, %select_n3A_156 : vector<16xi1>, vector<16xf32>
    %select_n3A_182 = arith.select %or3A_180, %gather3A_147, %select_n3A_157 : vector<16xi1>, vector<16xi32>
    %select_n3A_183 = arith.select %or3A_180, %select_n3A_156, %gather3A_138 : vector<16xi1>, vector<16xf32>
    %select_n3A_184 = arith.select %or3A_180, %select_n3A_157, %gather3A_147 : vector<16xi1>, vector<16xi32>
    %gt3A_185 = arith.cmpf ogt, %select_n3A_183, %select_n3A_165 : vector<16xf32>
    %eq3A_186 = arith.cmpf oeq, %select_n3A_183, %select_n3A_165 : vector<16xf32>
    %lt3A_187 = arith.cmpi slt, %select_n3A_184, %select_n3A_166 : vector<16xi32>
    %and3A_188 = arith.andi %eq3A_186, %lt3A_187 : vector<16xi1>
    %or3A_189 = arith.ori %gt3A_185, %and3A_188 : vector<16xi1>
    %select_n3A_190 = arith.select %or3A_189, %select_n3A_183, %select_n3A_165 : vector<16xi1>, vector<16xf32>
    %select_n3A_191 = arith.select %or3A_189, %select_n3A_184, %select_n3A_166 : vector<16xi1>, vector<16xi32>
    %select_n3A_192 = arith.select %or3A_189, %select_n3A_165, %select_n3A_183 : vector<16xi1>, vector<16xf32>
    %select_n3A_193 = arith.select %or3A_189, %select_n3A_166, %select_n3A_184 : vector<16xi1>, vector<16xi32>
    %gt3A_194 = arith.cmpf ogt, %select_n3A_192, %select_n3A_174 : vector<16xf32>
    %eq3A_195 = arith.cmpf oeq, %select_n3A_192, %select_n3A_174 : vector<16xf32>
    %lt3A_196 = arith.cmpi slt, %select_n3A_193, %select_n3A_175 : vector<16xi32>
    %and3A_197 = arith.andi %eq3A_195, %lt3A_196 : vector<16xi1>
    %or3A_198 = arith.ori %gt3A_194, %and3A_197 : vector<16xi1>
    %select_n3A_199 = arith.select %or3A_198, %select_n3A_192, %select_n3A_174 : vector<16xi1>, vector<16xf32>
    %select_n3A_200 = arith.select %or3A_198, %select_n3A_193, %select_n3A_175 : vector<16xi1>, vector<16xi32>
    %gt3A_201 = arith.cmpf ogt, %gather3A_141, %select_n3A_181 : vector<16xf32>
    %eq3A_202 = arith.cmpf oeq, %gather3A_141, %select_n3A_181 : vector<16xf32>
    %lt3A_203 = arith.cmpi slt, %gather3A_150, %select_n3A_182 : vector<16xi32>
    %and3A_204 = arith.andi %eq3A_202, %lt3A_203 : vector<16xi1>
    %or3A_205 = arith.ori %gt3A_201, %and3A_204 : vector<16xi1>
    %select_n3A_206 = arith.select %or3A_205, %gather3A_141, %select_n3A_181 : vector<16xi1>, vector<16xf32>
    %select_n3A_207 = arith.select %or3A_205, %gather3A_150, %select_n3A_182 : vector<16xi1>, vector<16xi32>
    %select_n3A_208 = arith.select %or3A_205, %select_n3A_181, %gather3A_141 : vector<16xi1>, vector<16xf32>
    %select_n3A_209 = arith.select %or3A_205, %select_n3A_182, %gather3A_150 : vector<16xi1>, vector<16xi32>
    %gt3A_210 = arith.cmpf ogt, %select_n3A_208, %select_n3A_190 : vector<16xf32>
    %eq3A_211 = arith.cmpf oeq, %select_n3A_208, %select_n3A_190 : vector<16xf32>
    %lt3A_212 = arith.cmpi slt, %select_n3A_209, %select_n3A_191 : vector<16xi32>
    %and3A_213 = arith.andi %eq3A_211, %lt3A_212 : vector<16xi1>
    %or3A_214 = arith.ori %gt3A_210, %and3A_213 : vector<16xi1>
    %select_n3A_215 = arith.select %or3A_214, %select_n3A_208, %select_n3A_190 : vector<16xi1>, vector<16xf32>
    %select_n3A_216 = arith.select %or3A_214, %select_n3A_209, %select_n3A_191 : vector<16xi1>, vector<16xi32>
    %select_n3A_217 = arith.select %or3A_214, %select_n3A_190, %select_n3A_208 : vector<16xi1>, vector<16xf32>
    %select_n3A_218 = arith.select %or3A_214, %select_n3A_191, %select_n3A_209 : vector<16xi1>, vector<16xi32>
    %gt3A_219 = arith.cmpf ogt, %select_n3A_217, %select_n3A_199 : vector<16xf32>
    %eq3A_220 = arith.cmpf oeq, %select_n3A_217, %select_n3A_199 : vector<16xf32>
    %lt3A_221 = arith.cmpi slt, %select_n3A_218, %select_n3A_200 : vector<16xi32>
    %and3A_222 = arith.andi %eq3A_220, %lt3A_221 : vector<16xi1>
    %or3A_223 = arith.ori %gt3A_219, %and3A_222 : vector<16xi1>
    %select_n3A_224 = arith.select %or3A_223, %select_n3A_217, %select_n3A_199 : vector<16xi1>, vector<16xf32>
    %select_n3A_225 = arith.select %or3A_223, %select_n3A_218, %select_n3A_200 : vector<16xi1>, vector<16xi32>
    %xor3A_226 = arith.constant 4 : i32
    %xor3A_227 = vector.broadcast %xor3A_226 : i32 to vector<16xi32>
    %xor3A_228 = arith.xori %iota3A, %xor3A_227 : vector<16xi32>
    %broadcast_in_dim3A_229 = vector.shape_cast %xor3A_228 : vector<16xi32> to vector<16x1xi32>
    %gather3A_230 = vector.shape_cast %broadcast_in_dim3A_229 : vector<16x1xi32> to vector<16xi32>
    %gather3A_231 = tpu.dynamic_gather %select_n3A_206[%gather3A_230] in [0] : vector<16xf32>, vector<16xi32> -> vector<16xf32>
    %broadcast_in_dim3A_232 = vector.shape_cast %xor3A_228 : vector<16xi32> to vector<16x1xi32>
    %gather3A_233 = vector.shape_cast %broadcast_in_dim3A_232 : vector<16x1xi32> to vector<16xi32>
    %gather3A_234 = tpu.dynamic_gather %select_n3A_215[%gather3A_233] in [0] : vector<16xf32>, vector<16xi32> -> vector<16xf32>
    %broadcast_in_dim3A_235 = vector.shape_cast %xor3A_228 : vector<16xi32> to vector<16x1xi32>
    %gather3A_236 = vector.shape_cast %broadcast_in_dim3A_235 : vector<16x1xi32> to vector<16xi32>
    %gather3A_237 = tpu.dynamic_gather %select_n3A_224[%gather3A_236] in [0] : vector<16xf32>, vector<16xi32> -> vector<16xf32>
    %broadcast_in_dim3A_238 = vector.shape_cast %xor3A_228 : vector<16xi32> to vector<16x1xi32>
    %gather3A_239 = vector.shape_cast %broadcast_in_dim3A_238 : vector<16x1xi32> to vector<16xi32>
    %gather3A_240 = tpu.dynamic_gather %select_n3A_207[%gather3A_239] in [0] : vector<16xi32>, vector<16xi32> -> vector<16xi32>
    %broadcast_in_dim3A_241 = vector.shape_cast %xor3A_228 : vector<16xi32> to vector<16x1xi32>
    %gather3A_242 = vector.shape_cast %broadcast_in_dim3A_241 : vector<16x1xi32> to vector<16xi32>
    %gather3A_243 = tpu.dynamic_gather %select_n3A_216[%gather3A_242] in [0] : vector<16xi32>, vector<16xi32> -> vector<16xi32>
    %broadcast_in_dim3A_244 = vector.shape_cast %xor3A_228 : vector<16xi32> to vector<16x1xi32>
    %gather3A_245 = vector.shape_cast %broadcast_in_dim3A_244 : vector<16x1xi32> to vector<16xi32>
    %gather3A_246 = tpu.dynamic_gather %select_n3A_225[%gather3A_245] in [0] : vector<16xi32>, vector<16xi32> -> vector<16xi32>
    %gt3A_247 = arith.cmpf ogt, %gather3A_231, %select_n3A_206 : vector<16xf32>
    %eq3A_248 = arith.cmpf oeq, %gather3A_231, %select_n3A_206 : vector<16xf32>
    %lt3A_249 = arith.cmpi slt, %gather3A_240, %select_n3A_207 : vector<16xi32>
    %and3A_250 = arith.andi %eq3A_248, %lt3A_249 : vector<16xi1>
    %or3A_251 = arith.ori %gt3A_247, %and3A_250 : vector<16xi1>
    %select_n3A_252 = arith.select %or3A_251, %gather3A_231, %select_n3A_206 : vector<16xi1>, vector<16xf32>
    %select_n3A_253 = arith.select %or3A_251, %gather3A_240, %select_n3A_207 : vector<16xi1>, vector<16xi32>
    %select_n3A_254 = arith.select %or3A_251, %select_n3A_206, %gather3A_231 : vector<16xi1>, vector<16xf32>
    %select_n3A_255 = arith.select %or3A_251, %select_n3A_207, %gather3A_240 : vector<16xi1>, vector<16xi32>
    %gt3A_256 = arith.cmpf ogt, %select_n3A_254, %select_n3A_215 : vector<16xf32>
    %eq3A_257 = arith.cmpf oeq, %select_n3A_254, %select_n3A_215 : vector<16xf32>
    %lt3A_258 = arith.cmpi slt, %select_n3A_255, %select_n3A_216 : vector<16xi32>
    %and3A_259 = arith.andi %eq3A_257, %lt3A_258 : vector<16xi1>
    %or3A_260 = arith.ori %gt3A_256, %and3A_259 : vector<16xi1>
    %select_n3A_261 = arith.select %or3A_260, %select_n3A_254, %select_n3A_215 : vector<16xi1>, vector<16xf32>
    %select_n3A_262 = arith.select %or3A_260, %select_n3A_255, %select_n3A_216 : vector<16xi1>, vector<16xi32>
    %select_n3A_263 = arith.select %or3A_260, %select_n3A_215, %select_n3A_254 : vector<16xi1>, vector<16xf32>
    %select_n3A_264 = arith.select %or3A_260, %select_n3A_216, %select_n3A_255 : vector<16xi1>, vector<16xi32>
    %gt3A_265 = arith.cmpf ogt, %select_n3A_263, %select_n3A_224 : vector<16xf32>
    %eq3A_266 = arith.cmpf oeq, %select_n3A_263, %select_n3A_224 : vector<16xf32>
    %lt3A_267 = arith.cmpi slt, %select_n3A_264, %select_n3A_225 : vector<16xi32>
    %and3A_268 = arith.andi %eq3A_266, %lt3A_267 : vector<16xi1>
    %or3A_269 = arith.ori %gt3A_265, %and3A_268 : vector<16xi1>
    %select_n3A_270 = arith.select %or3A_269, %select_n3A_263, %select_n3A_224 : vector<16xi1>, vector<16xf32>
    %select_n3A_271 = arith.select %or3A_269, %select_n3A_264, %select_n3A_225 : vector<16xi1>, vector<16xi32>
    %gt3A_272 = arith.cmpf ogt, %gather3A_234, %select_n3A_252 : vector<16xf32>
    %eq3A_273 = arith.cmpf oeq, %gather3A_234, %select_n3A_252 : vector<16xf32>
    %lt3A_274 = arith.cmpi slt, %gather3A_243, %select_n3A_253 : vector<16xi32>
    %and3A_275 = arith.andi %eq3A_273, %lt3A_274 : vector<16xi1>
    %or3A_276 = arith.ori %gt3A_272, %and3A_275 : vector<16xi1>
    %select_n3A_277 = arith.select %or3A_276, %gather3A_234, %select_n3A_252 : vector<16xi1>, vector<16xf32>
    %select_n3A_278 = arith.select %or3A_276, %gather3A_243, %select_n3A_253 : vector<16xi1>, vector<16xi32>
    %select_n3A_279 = arith.select %or3A_276, %select_n3A_252, %gather3A_234 : vector<16xi1>, vector<16xf32>
    %select_n3A_280 = arith.select %or3A_276, %select_n3A_253, %gather3A_243 : vector<16xi1>, vector<16xi32>
    %gt3A_281 = arith.cmpf ogt, %select_n3A_279, %select_n3A_261 : vector<16xf32>
    %eq3A_282 = arith.cmpf oeq, %select_n3A_279, %select_n3A_261 : vector<16xf32>
    %lt3A_283 = arith.cmpi slt, %select_n3A_280, %select_n3A_262 : vector<16xi32>
    %and3A_284 = arith.andi %eq3A_282, %lt3A_283 : vector<16xi1>
    %or3A_285 = arith.ori %gt3A_281, %and3A_284 : vector<16xi1>
    %select_n3A_286 = arith.select %or3A_285, %select_n3A_279, %select_n3A_261 : vector<16xi1>, vector<16xf32>
    %select_n3A_287 = arith.select %or3A_285, %select_n3A_280, %select_n3A_262 : vector<16xi1>, vector<16xi32>
    %select_n3A_288 = arith.select %or3A_285, %select_n3A_261, %select_n3A_279 : vector<16xi1>, vector<16xf32>
    %select_n3A_289 = arith.select %or3A_285, %select_n3A_262, %select_n3A_280 : vector<16xi1>, vector<16xi32>
    %gt3A_290 = arith.cmpf ogt, %select_n3A_288, %select_n3A_270 : vector<16xf32>
    %eq3A_291 = arith.cmpf oeq, %select_n3A_288, %select_n3A_270 : vector<16xf32>
    %lt3A_292 = arith.cmpi slt, %select_n3A_289, %select_n3A_271 : vector<16xi32>
    %and3A_293 = arith.andi %eq3A_291, %lt3A_292 : vector<16xi1>
    %or3A_294 = arith.ori %gt3A_290, %and3A_293 : vector<16xi1>
    %select_n3A_295 = arith.select %or3A_294, %select_n3A_288, %select_n3A_270 : vector<16xi1>, vector<16xf32>
    %select_n3A_296 = arith.select %or3A_294, %select_n3A_289, %select_n3A_271 : vector<16xi1>, vector<16xi32>
    %gt3A_297 = arith.cmpf ogt, %gather3A_237, %select_n3A_277 : vector<16xf32>
    %eq3A_298 = arith.cmpf oeq, %gather3A_237, %select_n3A_277 : vector<16xf32>
    %lt3A_299 = arith.cmpi slt, %gather3A_246, %select_n3A_278 : vector<16xi32>
    %and3A_300 = arith.andi %eq3A_298, %lt3A_299 : vector<16xi1>
    %or3A_301 = arith.ori %gt3A_297, %and3A_300 : vector<16xi1>
    %select_n3A_302 = arith.select %or3A_301, %gather3A_237, %select_n3A_277 : vector<16xi1>, vector<16xf32>
    %select_n3A_303 = arith.select %or3A_301, %gather3A_246, %select_n3A_278 : vector<16xi1>, vector<16xi32>
    %select_n3A_304 = arith.select %or3A_301, %select_n3A_277, %gather3A_237 : vector<16xi1>, vector<16xf32>
    %select_n3A_305 = arith.select %or3A_301, %select_n3A_278, %gather3A_246 : vector<16xi1>, vector<16xi32>
    %gt3A_306 = arith.cmpf ogt, %select_n3A_304, %select_n3A_286 : vector<16xf32>
    %eq3A_307 = arith.cmpf oeq, %select_n3A_304, %select_n3A_286 : vector<16xf32>
    %lt3A_308 = arith.cmpi slt, %select_n3A_305, %select_n3A_287 : vector<16xi32>
    %and3A_309 = arith.andi %eq3A_307, %lt3A_308 : vector<16xi1>
    %or3A_310 = arith.ori %gt3A_306, %and3A_309 : vector<16xi1>
    %select_n3A_311 = arith.select %or3A_310, %select_n3A_304, %select_n3A_286 : vector<16xi1>, vector<16xf32>
    %select_n3A_312 = arith.select %or3A_310, %select_n3A_305, %select_n3A_287 : vector<16xi1>, vector<16xi32>
    %select_n3A_313 = arith.select %or3A_310, %select_n3A_286, %select_n3A_304 : vector<16xi1>, vector<16xf32>
    %select_n3A_314 = arith.select %or3A_310, %select_n3A_287, %select_n3A_305 : vector<16xi1>, vector<16xi32>
    %gt3A_315 = arith.cmpf ogt, %select_n3A_313, %select_n3A_295 : vector<16xf32>
    %eq3A_316 = arith.cmpf oeq, %select_n3A_313, %select_n3A_295 : vector<16xf32>
    %lt3A_317 = arith.cmpi slt, %select_n3A_314, %select_n3A_296 : vector<16xi32>
    %and3A_318 = arith.andi %eq3A_316, %lt3A_317 : vector<16xi1>
    %or3A_319 = arith.ori %gt3A_315, %and3A_318 : vector<16xi1>
    %select_n3A_320 = arith.select %or3A_319, %select_n3A_313, %select_n3A_295 : vector<16xi1>, vector<16xf32>
    %select_n3A_321 = arith.select %or3A_319, %select_n3A_314, %select_n3A_296 : vector<16xi1>, vector<16xi32>
    %xor3A_322 = arith.constant 8 : i32
    %xor3A_323 = vector.broadcast %xor3A_322 : i32 to vector<16xi32>
    %xor3A_324 = arith.xori %iota3A, %xor3A_323 : vector<16xi32>
    %broadcast_in_dim3A_325 = vector.shape_cast %xor3A_324 : vector<16xi32> to vector<16x1xi32>
    %gather3A_326 = vector.shape_cast %broadcast_in_dim3A_325 : vector<16x1xi32> to vector<16xi32>
    %gather3A_327 = tpu.dynamic_gather %select_n3A_302[%gather3A_326] in [0] : vector<16xf32>, vector<16xi32> -> vector<16xf32>
    %broadcast_in_dim3A_328 = vector.shape_cast %xor3A_324 : vector<16xi32> to vector<16x1xi32>
    %gather3A_329 = vector.shape_cast %broadcast_in_dim3A_328 : vector<16x1xi32> to vector<16xi32>
    %gather3A_330 = tpu.dynamic_gather %select_n3A_311[%gather3A_329] in [0] : vector<16xf32>, vector<16xi32> -> vector<16xf32>
    %broadcast_in_dim3A_331 = vector.shape_cast %xor3A_324 : vector<16xi32> to vector<16x1xi32>
    %gather3A_332 = vector.shape_cast %broadcast_in_dim3A_331 : vector<16x1xi32> to vector<16xi32>
    %gather3A_333 = tpu.dynamic_gather %select_n3A_320[%gather3A_332] in [0] : vector<16xf32>, vector<16xi32> -> vector<16xf32>
    %broadcast_in_dim3A_334 = vector.shape_cast %xor3A_324 : vector<16xi32> to vector<16x1xi32>
    %gather3A_335 = vector.shape_cast %broadcast_in_dim3A_334 : vector<16x1xi32> to vector<16xi32>
    %gather3A_336 = tpu.dynamic_gather %select_n3A_303[%gather3A_335] in [0] : vector<16xi32>, vector<16xi32> -> vector<16xi32>
    %broadcast_in_dim3A_337 = vector.shape_cast %xor3A_324 : vector<16xi32> to vector<16x1xi32>
    %gather3A_338 = vector.shape_cast %broadcast_in_dim3A_337 : vector<16x1xi32> to vector<16xi32>
    %gather3A_339 = tpu.dynamic_gather %select_n3A_312[%gather3A_338] in [0] : vector<16xi32>, vector<16xi32> -> vector<16xi32>
    %broadcast_in_dim3A_340 = vector.shape_cast %xor3A_324 : vector<16xi32> to vector<16x1xi32>
    %gather3A_341 = vector.shape_cast %broadcast_in_dim3A_340 : vector<16x1xi32> to vector<16xi32>
    %gather3A_342 = tpu.dynamic_gather %select_n3A_321[%gather3A_341] in [0] : vector<16xi32>, vector<16xi32> -> vector<16xi32>
    %gt3A_343 = arith.cmpf ogt, %gather3A_327, %select_n3A_302 : vector<16xf32>
    %eq3A_344 = arith.cmpf oeq, %gather3A_327, %select_n3A_302 : vector<16xf32>
    %lt3A_345 = arith.cmpi slt, %gather3A_336, %select_n3A_303 : vector<16xi32>
    %and3A_346 = arith.andi %eq3A_344, %lt3A_345 : vector<16xi1>
    %or3A_347 = arith.ori %gt3A_343, %and3A_346 : vector<16xi1>
    %select_n3A_348 = arith.select %or3A_347, %gather3A_327, %select_n3A_302 : vector<16xi1>, vector<16xf32>
    %select_n3A_349 = arith.select %or3A_347, %gather3A_336, %select_n3A_303 : vector<16xi1>, vector<16xi32>
    %select_n3A_350 = arith.select %or3A_347, %select_n3A_302, %gather3A_327 : vector<16xi1>, vector<16xf32>
    %select_n3A_351 = arith.select %or3A_347, %select_n3A_303, %gather3A_336 : vector<16xi1>, vector<16xi32>
    %gt3A_352 = arith.cmpf ogt, %select_n3A_350, %select_n3A_311 : vector<16xf32>
    %eq3A_353 = arith.cmpf oeq, %select_n3A_350, %select_n3A_311 : vector<16xf32>
    %lt3A_354 = arith.cmpi slt, %select_n3A_351, %select_n3A_312 : vector<16xi32>
    %and3A_355 = arith.andi %eq3A_353, %lt3A_354 : vector<16xi1>
    %or3A_356 = arith.ori %gt3A_352, %and3A_355 : vector<16xi1>
    %select_n3A_357 = arith.select %or3A_356, %select_n3A_350, %select_n3A_311 : vector<16xi1>, vector<16xf32>
    %select_n3A_358 = arith.select %or3A_356, %select_n3A_351, %select_n3A_312 : vector<16xi1>, vector<16xi32>
    %select_n3A_359 = arith.select %or3A_356, %select_n3A_311, %select_n3A_350 : vector<16xi1>, vector<16xf32>
    %select_n3A_360 = arith.select %or3A_356, %select_n3A_312, %select_n3A_351 : vector<16xi1>, vector<16xi32>
    %gt3A_361 = arith.cmpf ogt, %select_n3A_359, %select_n3A_320 : vector<16xf32>
    %eq3A_362 = arith.cmpf oeq, %select_n3A_359, %select_n3A_320 : vector<16xf32>
    %lt3A_363 = arith.cmpi slt, %select_n3A_360, %select_n3A_321 : vector<16xi32>
    %and3A_364 = arith.andi %eq3A_362, %lt3A_363 : vector<16xi1>
    %or3A_365 = arith.ori %gt3A_361, %and3A_364 : vector<16xi1>
    %select_n3A_366 = arith.select %or3A_365, %select_n3A_359, %select_n3A_320 : vector<16xi1>, vector<16xf32>
    %select_n3A_367 = arith.select %or3A_365, %select_n3A_360, %select_n3A_321 : vector<16xi1>, vector<16xi32>
    %gt3A_368 = arith.cmpf ogt, %gather3A_330, %select_n3A_348 : vector<16xf32>
    %eq3A_369 = arith.cmpf oeq, %gather3A_330, %select_n3A_348 : vector<16xf32>
    %lt3A_370 = arith.cmpi slt, %gather3A_339, %select_n3A_349 : vector<16xi32>
    %and3A_371 = arith.andi %eq3A_369, %lt3A_370 : vector<16xi1>
    %or3A_372 = arith.ori %gt3A_368, %and3A_371 : vector<16xi1>
    %select_n3A_373 = arith.select %or3A_372, %gather3A_330, %select_n3A_348 : vector<16xi1>, vector<16xf32>
    %select_n3A_374 = arith.select %or3A_372, %gather3A_339, %select_n3A_349 : vector<16xi1>, vector<16xi32>
    %select_n3A_375 = arith.select %or3A_372, %select_n3A_348, %gather3A_330 : vector<16xi1>, vector<16xf32>
    %select_n3A_376 = arith.select %or3A_372, %select_n3A_349, %gather3A_339 : vector<16xi1>, vector<16xi32>
    %gt3A_377 = arith.cmpf ogt, %select_n3A_375, %select_n3A_357 : vector<16xf32>
    %eq3A_378 = arith.cmpf oeq, %select_n3A_375, %select_n3A_357 : vector<16xf32>
    %lt3A_379 = arith.cmpi slt, %select_n3A_376, %select_n3A_358 : vector<16xi32>
    %and3A_380 = arith.andi %eq3A_378, %lt3A_379 : vector<16xi1>
    %or3A_381 = arith.ori %gt3A_377, %and3A_380 : vector<16xi1>
    %select_n3A_382 = arith.select %or3A_381, %select_n3A_375, %select_n3A_357 : vector<16xi1>, vector<16xf32>
    %select_n3A_383 = arith.select %or3A_381, %select_n3A_376, %select_n3A_358 : vector<16xi1>, vector<16xi32>
    %select_n3A_384 = arith.select %or3A_381, %select_n3A_357, %select_n3A_375 : vector<16xi1>, vector<16xf32>
    %select_n3A_385 = arith.select %or3A_381, %select_n3A_358, %select_n3A_376 : vector<16xi1>, vector<16xi32>
    %gt3A_386 = arith.cmpf ogt, %select_n3A_384, %select_n3A_366 : vector<16xf32>
    %eq3A_387 = arith.cmpf oeq, %select_n3A_384, %select_n3A_366 : vector<16xf32>
    %lt3A_388 = arith.cmpi slt, %select_n3A_385, %select_n3A_367 : vector<16xi32>
    %and3A_389 = arith.andi %eq3A_387, %lt3A_388 : vector<16xi1>
    %or3A_390 = arith.ori %gt3A_386, %and3A_389 : vector<16xi1>
    %select_n3A_391 = arith.select %or3A_390, %select_n3A_384, %select_n3A_366 : vector<16xi1>, vector<16xf32>
    %select_n3A_392 = arith.select %or3A_390, %select_n3A_385, %select_n3A_367 : vector<16xi1>, vector<16xi32>
    %gt3A_393 = arith.cmpf ogt, %gather3A_333, %select_n3A_373 : vector<16xf32>
    %eq3A_394 = arith.cmpf oeq, %gather3A_333, %select_n3A_373 : vector<16xf32>
    %lt3A_395 = arith.cmpi slt, %gather3A_342, %select_n3A_374 : vector<16xi32>
    %and3A_396 = arith.andi %eq3A_394, %lt3A_395 : vector<16xi1>
    %or3A_397 = arith.ori %gt3A_393, %and3A_396 : vector<16xi1>
    %select_n3A_398 = arith.select %or3A_397, %gather3A_333, %select_n3A_373 : vector<16xi1>, vector<16xf32>
    %select_n3A_399 = arith.select %or3A_397, %gather3A_342, %select_n3A_374 : vector<16xi1>, vector<16xi32>
    %select_n3A_400 = arith.select %or3A_397, %select_n3A_373, %gather3A_333 : vector<16xi1>, vector<16xf32>
    %select_n3A_401 = arith.select %or3A_397, %select_n3A_374, %gather3A_342 : vector<16xi1>, vector<16xi32>
    %gt3A_402 = arith.cmpf ogt, %select_n3A_400, %select_n3A_382 : vector<16xf32>
    %eq3A_403 = arith.cmpf oeq, %select_n3A_400, %select_n3A_382 : vector<16xf32>
    %lt3A_404 = arith.cmpi slt, %select_n3A_401, %select_n3A_383 : vector<16xi32>
    %and3A_405 = arith.andi %eq3A_403, %lt3A_404 : vector<16xi1>
    %or3A_406 = arith.ori %gt3A_402, %and3A_405 : vector<16xi1>
    %select_n3A_407 = arith.select %or3A_406, %select_n3A_400, %select_n3A_382 : vector<16xi1>, vector<16xf32>
    %select_n3A_408 = arith.select %or3A_406, %select_n3A_401, %select_n3A_383 : vector<16xi1>, vector<16xi32>
    %select_n3A_409 = arith.select %or3A_406, %select_n3A_382, %select_n3A_400 : vector<16xi1>, vector<16xf32>
    %select_n3A_410 = arith.select %or3A_406, %select_n3A_383, %select_n3A_401 : vector<16xi1>, vector<16xi32>
    %gt3A_411 = arith.cmpf ogt, %select_n3A_409, %select_n3A_391 : vector<16xf32>
    %eq3A_412 = arith.cmpf oeq, %select_n3A_409, %select_n3A_391 : vector<16xf32>
    %lt3A_413 = arith.cmpi slt, %select_n3A_410, %select_n3A_392 : vector<16xi32>
    %and3A_414 = arith.andi %eq3A_412, %lt3A_413 : vector<16xi1>
    %or3A_415 = arith.ori %gt3A_411, %and3A_414 : vector<16xi1>
    %select_n3A_416 = arith.select %or3A_415, %select_n3A_409, %select_n3A_391 : vector<16xi1>, vector<16xf32>
    %select_n3A_417 = arith.select %or3A_415, %select_n3A_410, %select_n3A_392 : vector<16xi1>, vector<16xi32>
    %sub3A = arith.subf %select_n3A_407, %select_n3A_398 : vector<16xf32>
    %exp3A = math.exp %sub3A : vector<16xf32>
    %sub3A_418 = arith.subf %select_n3A_416, %select_n3A_398 : vector<16xf32>
    %exp3A_419 = math.exp %sub3A_418 : vector<16xf32>
    %add3A = arith.constant 1.000000e+00 : f32
    %add3A_420 = vector.broadcast %add3A : f32 to vector<16xf32>
    %add3A_421 = arith.addf %add3A_420, %exp3A : vector<16xf32>
    %add3A_422 = arith.addf %add3A_421, %exp3A_419 : vector<16xf32>
    %div3A = arith.constant 1.000000e+00 : f32
    %div3A_423 = vector.broadcast %div3A : f32 to vector<16xf32>
    %div3A_424 = arith.divf %div3A_423, %add3A_422 : vector<16xf32>
    %div3A_425 = arith.divf %exp3A, %add3A_422 : vector<16xf32>
    %div3A_426 = arith.divf %exp3A_419, %add3A_422 : vector<16xf32>
    %eq3A_427 = arith.constant 0 : i32
    %eq3A_428 = vector.broadcast %eq3A_427 : i32 to vector<16xi32>
    %eq3A_429 = arith.cmpi eq, %iota3A, %eq3A_428 : vector<16xi32>
    %eq3A_430 = arith.constant 1 : i32
    %eq3A_431 = vector.broadcast %eq3A_430 : i32 to vector<16xi32>
    %eq3A_432 = arith.cmpi eq, %iota3A, %eq3A_431 : vector<16xi32>
    %eq3A_433 = arith.constant 2 : i32
    %eq3A_434 = vector.broadcast %eq3A_433 : i32 to vector<16xi32>
    %eq3A_435 = arith.cmpi eq, %iota3A, %eq3A_434 : vector<16xi32>
    %jit3A = arith.constant 0 : i32
    %broadcast_in_dim3A_436 = vector.broadcast %jit3A : i32 to vector<16xi32>
    %select_n3A_437 = arith.select %eq3A_435, %select_n3A_417, %broadcast_in_dim3A_436 : vector<16xi1>, vector<16xi32>
    %select_n3A_438 = arith.select %eq3A_432, %select_n3A_408, %select_n3A_437 : vector<16xi1>, vector<16xi32>
    %select_n3A_439 = arith.select %eq3A_429, %select_n3A_399, %select_n3A_438 : vector<16xi1>, vector<16xi32>
    %swap3A_440 = arith.constant 0 : index
    %swap3A_441 = tpu.vector_load %arg12[%swap3A_440] {strides = array<i32>} : memref<16xi32, #tpu.memory_space<vmem>>, vector<16xi32>,
    %swap3A_442 = vector.shape_cast %swap3A_441 : vector<16xi32> to vector<16xi32>
    %swap3A_443 = vector.shape_cast %select_n3A_439 : vector<16xi32> to vector<16xi32>
    tpu.vector_store %arg12[%swap3A_440], %swap3A_443 {strides = array<i32>} : memref<16xi32, #tpu.memory_space<vmem>>, vector<16xi32>,
    %dma_start3A = arith.constant 0 : i32
    %dma_start3A_444 = arith.constant 0 : i32
    %dma_start3A_445 = tpu.memref_slice %arg3[%dma_start3A, %dma_start3A_444] : memref<65536x512xf32, #tpu.memory_space<hbm>> -> memref<65536x512xf32, #tpu.memory_space<hbm>>
    tpu.enqueue_indirect_dma source(%dma_start3A_445 : memref<65536x512xf32, #tpu.memory_space<hbm>>) target(%arg13 : memref<16x512xf32, #tpu.memory_space<vmem>>) offsets(%arg12 : memref<16xi32, #tpu.memory_space<vmem>>) semaphore(%arg15 : memref<!tpu.dma_semaphore, #tpu.memory_space<semaphore_mem>>)
    %dma_wait3A = arith.constant 0 : i32
    %dma_wait3A_446 = arith.constant 0 : i32
    %dma_wait3A_447 = tpu.memref_slice %arg3[%dma_wait3A, %dma_wait3A_446] : memref<65536x512xf32, #tpu.memory_space<hbm>> -> memref<65536x512xf32, #tpu.memory_space<hbm>>
    tpu.wait_indirect_dma semaphore(%arg15 : memref<!tpu.dma_semaphore, #tpu.memory_space<semaphore_mem>>) src(%dma_wait3A_447 : memref<65536x512xf32, #tpu.memory_space<hbm>>) dst(%arg13 : memref<16x512xf32, #tpu.memory_space<vmem>>)
    %get3A = arith.constant 0 : i32
    %get3A_448 = arith.index_cast %get3A : i32 to index
    %get3A_449 = arith.constant 0 : index
    %get3A_450 = tpu.vector_load %arg13[%get3A_448, %get3A_449] {strides = array<i32>} : memref<16x512xf32, #tpu.memory_space<vmem>>, vector<1x16xf32>,
    %get3A_451 = vector.shape_cast %get3A_450 : vector<1x16xf32> to vector<16xf32>
    %mul3A_452 = arith.mulf %div3A_424, %get3A_451 : vector<16xf32>
    %get3A_453 = arith.constant 1 : i32
    %get3A_454 = arith.index_cast %get3A_453 : i32 to index
    %get3A_455 = arith.constant 0 : index
    %get3A_456 = tpu.vector_load %arg13[%get3A_454, %get3A_455] {strides = array<i32>} : memref<16x512xf32, #tpu.memory_space<vmem>>, vector<1x16xf32>,
    %get3A_457 = vector.shape_cast %get3A_456 : vector<1x16xf32> to vector<16xf32>
    %mul3A_458 = arith.mulf %div3A_425, %get3A_457 : vector<16xf32>
    %add3A_459 = arith.addf %mul3A_452, %mul3A_458 : vector<16xf32>
    %get3A_460 = arith.constant 2 : i32
    %get3A_461 = arith.index_cast %get3A_460 : i32 to index
    %get3A_462 = arith.constant 0 : index
    %get3A_463 = tpu.vector_load %arg13[%get3A_461, %get3A_462] {strides = array<i32>} : memref<16x512xf32, #tpu.memory_space<vmem>>, vector<1x16xf32>,
    %get3A_464 = vector.shape_cast %get3A_463 : vector<1x16xf32> to vector<16xf32>
    %mul3A_465 = arith.mulf %div3A_426, %get3A_464 : vector<16xf32>
    %add3A_466 = arith.addf %add3A_459, %mul3A_465 : vector<16xf32>
    %swap3A_467 = arith.constant 0 : index
    %swap3A_468 = tpu.vector_load %arg14[%swap3A_467] {strides = array<i32>} : memref<512xf32, #tpu.memory_space<vmem>>, vector<16xf32>,
    %swap3A_469 = vector.shape_cast %swap3A_468 : vector<16xf32> to vector<16xf32>
    %swap3A_470 = vector.shape_cast %add3A_466 : vector<16xf32> to vector<16xf32>
    tpu.vector_store %arg14[%swap3A_467], %swap3A_470 {strides = array<i32>} : memref<512xf32, #tpu.memory_space<vmem>>, vector<16xf32>,
    %get3A_471 = arith.constant 0 : i32
    %get3A_472 = arith.index_cast %get3A_471 : i32 to index
    %get3A_473 = arith.constant 16 : index
    %get3A_474 = tpu.vector_load %arg13[%get3A_472, %get3A_473] {strides = array<i32>} : memref<16x512xf32, #tpu.memory_space<vmem>>, vector<1x16xf32>,
    %get3A_475 = vector.shape_cast %get3A_474 : vector<1x16xf32> to vector<16xf32>
    %mul3A_476 = arith.mulf %div3A_424, %get3A_475 : vector<16xf32>
    %get3A_477 = arith.constant 1 : i32
    %get3A_478 = arith.index_cast %get3A_477 : i32 to index
    %get3A_479 = arith.constant 16 : index
    %get3A_480 = tpu.vector_load %arg13[%get3A_478, %get3A_479] {strides = array<i32>} : memref<16x512xf32, #tpu.memory_space<vmem>>, vector<1x16xf32>,
    %get3A_481 = vector.shape_cast %get3A_480 : vector<1x16xf32> to vector<16xf32>
    %mul3A_482 = arith.mulf %div3A_425, %get3A_481 : vector<16xf32>
    %add3A_483 = arith.addf %mul3A_476, %mul3A_482 : vector<16xf32>
    %get3A_484 = arith.constant 2 : i32
    %get3A_485 = arith.index_cast %get3A_484 : i32 to index
    %get3A_486 = arith.constant 16 : index
    %get3A_487 = tpu.vector_load %arg13[%get3A_485, %get3A_486] {strides = array<i32>} : memref<16x512xf32, #tpu.memory_space<vmem>>, vector<1x16xf32>,
    %get3A_488 = vector.shape_cast %get3A_487 : vector<1x16xf32> to vector<16xf32>
    %mul3A_489 = arith.mulf %div3A_426, %get3A_488 : vector<16xf32>
    %add3A_490 = arith.addf %add3A_483, %mul3A_489 : vector<16xf32>
    %swap3A_491 = arith.constant 16 : index
    %swap3A_492 = tpu.vector_load %arg14[%swap3A_491] {strides = array<i32>} : memref<512xf32, #tpu.memory_space<vmem>>, vector<16xf32>,
    %swap3A_493 = vector.shape_cast %swap3A_492 : vector<16xf32> to vector<16xf32>
    %swap3A_494 = vector.shape_cast %add3A_490 : vector<16xf32> to vector<16xf32>
    tpu.vector_store %arg14[%swap3A_491], %swap3A_494 {strides = array<i32>} : memref<512xf32, #tpu.memory_space<vmem>>, vector<16xf32>,
    %get3A_495 = arith.constant 0 : i32
    %get3A_496 = arith.index_cast %get3A_495 : i32 to index
    %get3A_497 = arith.constant 32 : index
    %get3A_498 = tpu.vector_load %arg13[%get3A_496, %get3A_497] {strides = array<i32>} : memref<16x512xf32, #tpu.memory_space<vmem>>, vector<1x16xf32>,
    %get3A_499 = vector.shape_cast %get3A_498 : vector<1x16xf32> to vector<16xf32>
    %mul3A_500 = arith.mulf %div3A_424, %get3A_499 : vector<16xf32>
    %get3A_501 = arith.constant 1 : i32
    %get3A_502 = arith.index_cast %get3A_501 : i32 to index
    %get3A_503 = arith.constant 32 : index
    %get3A_504 = tpu.vector_load %arg13[%get3A_502, %get3A_503] {strides = array<i32>} : memref<16x512xf32, #tpu.memory_space<vmem>>, vector<1x16xf32>,
    %get3A_505 = vector.shape_cast %get3A_504 : vector<1x16xf32> to vector<16xf32>
    %mul3A_506 = arith.mulf %div3A_425, %get3A_505 : vector<16xf32>
    %add3A_507 = arith.addf %mul3A_500, %mul3A_506 : vector<16xf32>
    %get3A_508 = arith.constant 2 : i32
    %get3A_509 = arith.index_cast %get3A_508 : i32 to index
    %get3A_510 = arith.constant 32 : index
    %get3A_511 = tpu.vector_load %arg13[%get3A_509, %get3A_510] {strides = array<i32>} : memref<16x512xf32, #tpu.memory_space<vmem>>, vector<1x16xf32>,
    %get3A_512 = vector.shape_cast %get3A_511 : vector<1x16xf32> to vector<16xf32>
    %mul3A_513 = arith.mulf %div3A_426, %get3A_512 : vector<16xf32>
    %add3A_514 = arith.addf %add3A_507, %mul3A_513 : vector<16xf32>
    %swap3A_515 = arith.constant 32 : index
    %swap3A_516 = tpu.vector_load %arg14[%swap3A_515] {strides = array<i32>} : memref<512xf32, #tpu.memory_space<vmem>>, vector<16xf32>,
    %swap3A_517 = vector.shape_cast %swap3A_516 : vector<16xf32> to vector<16xf32>
    %swap3A_518 = vector.shape_cast %add3A_514 : vector<16xf32> to vector<16xf32>
    tpu.vector_store %arg14[%swap3A_515], %swap3A_518 {strides = array<i32>} : memref<512xf32, #tpu.memory_space<vmem>>, vector<16xf32>,
    %get3A_519 = arith.constant 0 : i32
    %get3A_520 = arith.index_cast %get3A_519 : i32 to index
    %get3A_521 = arith.constant 48 : index
    %get3A_522 = tpu.vector_load %arg13[%get3A_520, %get3A_521] {strides = array<i32>} : memref<16x512xf32, #tpu.memory_space<vmem>>, vector<1x16xf32>,
    %get3A_523 = vector.shape_cast %get3A_522 : vector<1x16xf32> to vector<16xf32>
    %mul3A_524 = arith.mulf %div3A_424, %get3A_523 : vector<16xf32>
    %get3A_525 = arith.constant 1 : i32
    %get3A_526 = arith.index_cast %get3A_525 : i32 to index
    %get3A_527 = arith.constant 48 : index
    %get3A_528 = tpu.vector_load %arg13[%get3A_526, %get3A_527] {strides = array<i32>} : memref<16x512xf32, #tpu.memory_space<vmem>>, vector<1x16xf32>,
    %get3A_529 = vector.shape_cast %get3A_528 : vector<1x16xf32> to vector<16xf32>
    %mul3A_530 = arith.mulf %div3A_425, %get3A_529 : vector<16xf32>
    %add3A_531 = arith.addf %mul3A_524, %mul3A_530 : vector<16xf32>
    %get3A_532 = arith.constant 2 : i32
    %get3A_533 = arith.index_cast %get3A_532 : i32 to index
    %get3A_534 = arith.constant 48 : index
    %get3A_535 = tpu.vector_load %arg13[%get3A_533, %get3A_534] {strides = array<i32>} : memref<16x512xf32, #tpu.memory_space<vmem>>, vector<1x16xf32>,
    %get3A_536 = vector.shape_cast %get3A_535 : vector<1x16xf32> to vector<16xf32>
    %mul3A_537 = arith.mulf %div3A_426, %get3A_536 : vector<16xf32>
    %add3A_538 = arith.addf %add3A_531, %mul3A_537 : vector<16xf32>
    %swap3A_539 = arith.constant 48 : index
    %swap3A_540 = tpu.vector_load %arg14[%swap3A_539] {strides = array<i32>} : memref<512xf32, #tpu.memory_space<vmem>>, vector<16xf32>,
    %swap3A_541 = vector.shape_cast %swap3A_540 : vector<16xf32> to vector<16xf32>
    %swap3A_542 = vector.shape_cast %add3A_538 : vector<16xf32> to vector<16xf32>
    tpu.vector_store %arg14[%swap3A_539], %swap3A_542 {strides = array<i32>} : memref<512xf32, #tpu.memory_space<vmem>>, vector<16xf32>,
    %get3A_543 = arith.constant 0 : i32
    %get3A_544 = arith.index_cast %get3A_543 : i32 to index
    %get3A_545 = arith.constant 64 : index
    %get3A_546 = tpu.vector_load %arg13[%get3A_544, %get3A_545] {strides = array<i32>} : memref<16x512xf32, #tpu.memory_space<vmem>>, vector<1x16xf32>,
    %get3A_547 = vector.shape_cast %get3A_546 : vector<1x16xf32> to vector<16xf32>
    %mul3A_548 = arith.mulf %div3A_424, %get3A_547 : vector<16xf32>
    %get3A_549 = arith.constant 1 : i32
    %get3A_550 = arith.index_cast %get3A_549 : i32 to index
    %get3A_551 = arith.constant 64 : index
    %get3A_552 = tpu.vector_load %arg13[%get3A_550, %get3A_551] {strides = array<i32>} : memref<16x512xf32, #tpu.memory_space<vmem>>, vector<1x16xf32>,
    %get3A_553 = vector.shape_cast %get3A_552 : vector<1x16xf32> to vector<16xf32>
    %mul3A_554 = arith.mulf %div3A_425, %get3A_553 : vector<16xf32>
    %add3A_555 = arith.addf %mul3A_548, %mul3A_554 : vector<16xf32>
    %get3A_556 = arith.constant 2 : i32
    %get3A_557 = arith.index_cast %get3A_556 : i32 to index
    %get3A_558 = arith.constant 64 : index
    %get3A_559 = tpu.vector_load %arg13[%get3A_557, %get3A_558] {strides = array<i32>} : memref<16x512xf32, #tpu.memory_space<vmem>>, vector<1x16xf32>,
    %get3A_560 = vector.shape_cast %get3A_559 : vector<1x16xf32> to vector<16xf32>
    %mul3A_561 = arith.mulf %div3A_426, %get3A_560 : vector<16xf32>
    %add3A_562 = arith.addf %add3A_555, %mul3A_561 : vector<16xf32>
    %swap3A_563 = arith.constant 64 : index
    %swap3A_564 = tpu.vector_load %arg14[%swap3A_563] {strides = array<i32>} : memref<512xf32, #tpu.memory_space<vmem>>, vector<16xf32>,
    %swap3A_565 = vector.shape_cast %swap3A_564 : vector<16xf32> to vector<16xf32>
    %swap3A_566 = vector.shape_cast %add3A_562 : vector<16xf32> to vector<16xf32>
    tpu.vector_store %arg14[%swap3A_563], %swap3A_566 {strides = array<i32>} : memref<512xf32, #tpu.memory_space<vmem>>, vector<16xf32>,
    %get3A_567 = arith.constant 0 : i32
    %get3A_568 = arith.index_cast %get3A_567 : i32 to index
    %get3A_569 = arith.constant 80 : index
    %get3A_570 = tpu.vector_load %arg13[%get3A_568, %get3A_569] {strides = array<i32>} : memref<16x512xf32, #tpu.memory_space<vmem>>, vector<1x16xf32>,
    %get3A_571 = vector.shape_cast %get3A_570 : vector<1x16xf32> to vector<16xf32>
    %mul3A_572 = arith.mulf %div3A_424, %get3A_571 : vector<16xf32>
    %get3A_573 = arith.constant 1 : i32
    %get3A_574 = arith.index_cast %get3A_573 : i32 to index
    %get3A_575 = arith.constant 80 : index
    %get3A_576 = tpu.vector_load %arg13[%get3A_574, %get3A_575] {strides = array<i32>} : memref<16x512xf32, #tpu.memory_space<vmem>>, vector<1x16xf32>,
    %get3A_577 = vector.shape_cast %get3A_576 : vector<1x16xf32> to vector<16xf32>
    %mul3A_578 = arith.mulf %div3A_425, %get3A_577 : vector<16xf32>
    %add3A_579 = arith.addf %mul3A_572, %mul3A_578 : vector<16xf32>
    %get3A_580 = arith.constant 2 : i32
    %get3A_581 = arith.index_cast %get3A_580 : i32 to index
    %get3A_582 = arith.constant 80 : index
    %get3A_583 = tpu.vector_load %arg13[%get3A_581, %get3A_582] {strides = array<i32>} : memref<16x512xf32, #tpu.memory_space<vmem>>, vector<1x16xf32>,
    %get3A_584 = vector.shape_cast %get3A_583 : vector<1x16xf32> to vector<16xf32>
    %mul3A_585 = arith.mulf %div3A_426, %get3A_584 : vector<16xf32>
    %add3A_586 = arith.addf %add3A_579, %mul3A_585 : vector<16xf32>
    %swap3A_587 = arith.constant 80 : index
    %swap3A_588 = tpu.vector_load %arg14[%swap3A_587] {strides = array<i32>} : memref<512xf32, #tpu.memory_space<vmem>>, vector<16xf32>,
    %swap3A_589 = vector.shape_cast %swap3A_588 : vector<16xf32> to vector<16xf32>
    %swap3A_590 = vector.shape_cast %add3A_586 : vector<16xf32> to vector<16xf32>
    tpu.vector_store %arg14[%swap3A_587], %swap3A_590 {strides = array<i32>} : memref<512xf32, #tpu.memory_space<vmem>>, vector<16xf32>,
    %get3A_591 = arith.constant 0 : i32
    %get3A_592 = arith.index_cast %get3A_591 : i32 to index
    %get3A_593 = arith.constant 96 : index
    %get3A_594 = tpu.vector_load %arg13[%get3A_592, %get3A_593] {strides = array<i32>} : memref<16x512xf32, #tpu.memory_space<vmem>>, vector<1x16xf32>,
    %get3A_595 = vector.shape_cast %get3A_594 : vector<1x16xf32> to vector<16xf32>
    %mul3A_596 = arith.mulf %div3A_424, %get3A_595 : vector<16xf32>
    %get3A_597 = arith.constant 1 : i32
    %get3A_598 = arith.index_cast %get3A_597 : i32 to index
    %get3A_599 = arith.constant 96 : index
    %get3A_600 = tpu.vector_load %arg13[%get3A_598, %get3A_599] {strides = array<i32>} : memref<16x512xf32, #tpu.memory_space<vmem>>, vector<1x16xf32>,
    %get3A_601 = vector.shape_cast %get3A_600 : vector<1x16xf32> to vector<16xf32>
    %mul3A_602 = arith.mulf %div3A_425, %get3A_601 : vector<16xf32>
    %add3A_603 = arith.addf %mul3A_596, %mul3A_602 : vector<16xf32>
    %get3A_604 = arith.constant 2 : i32
    %get3A_605 = arith.index_cast %get3A_604 : i32 to index
    %get3A_606 = arith.constant 96 : index
    %get3A_607 = tpu.vector_load %arg13[%get3A_605, %get3A_606] {strides = array<i32>} : memref<16x512xf32, #tpu.memory_space<vmem>>, vector<1x16xf32>,
    %get3A_608 = vector.shape_cast %get3A_607 : vector<1x16xf32> to vector<16xf32>
    %mul3A_609 = arith.mulf %div3A_426, %get3A_608 : vector<16xf32>
    %add3A_610 = arith.addf %add3A_603, %mul3A_609 : vector<16xf32>
    %swap3A_611 = arith.constant 96 : index
    %swap3A_612 = tpu.vector_load %arg14[%swap3A_611] {strides = array<i32>} : memref<512xf32, #tpu.memory_space<vmem>>, vector<16xf32>,
    %swap3A_613 = vector.shape_cast %swap3A_612 : vector<16xf32> to vector<16xf32>
    %swap3A_614 = vector.shape_cast %add3A_610 : vector<16xf32> to vector<16xf32>
    tpu.vector_store %arg14[%swap3A_611], %swap3A_614 {strides = array<i32>} : memref<512xf32, #tpu.memory_space<vmem>>, vector<16xf32>,
    %get3A_615 = arith.constant 0 : i32
    %get3A_616 = arith.index_cast %get3A_615 : i32 to index
    %get3A_617 = arith.constant 112 : index
    %get3A_618 = tpu.vector_load %arg13[%get3A_616, %get3A_617] {strides = array<i32>} : memref<16x512xf32, #tpu.memory_space<vmem>>, vector<1x16xf32>,
    %get3A_619 = vector.shape_cast %get3A_618 : vector<1x16xf32> to vector<16xf32>
    %mul3A_620 = arith.mulf %div3A_424, %get3A_619 : vector<16xf32>
    %get3A_621 = arith.constant 1 : i32
    %get3A_622 = arith.index_cast %get3A_621 : i32 to index
    %get3A_623 = arith.constant 112 : index
    %get3A_624 = tpu.vector_load %arg13[%get3A_622, %get3A_623] {strides = array<i32>} : memref<16x512xf32, #tpu.memory_space<vmem>>, vector<1x16xf32>,
    %get3A_625 = vector.shape_cast %get3A_624 : vector<1x16xf32> to vector<16xf32>
    %mul3A_626 = arith.mulf %div3A_425, %get3A_625 : vector<16xf32>
    %add3A_627 = arith.addf %mul3A_620, %mul3A_626 : vector<16xf32>
    %get3A_628 = arith.constant 2 : i32
    %get3A_629 = arith.index_cast %get3A_628 : i32 to index
    %get3A_630 = arith.constant 112 : index
    %get3A_631 = tpu.vector_load %arg13[%get3A_629, %get3A_630] {strides = array<i32>} : memref<16x512xf32, #tpu.memory_space<vmem>>, vector<1x16xf32>,
    %get3A_632 = vector.shape_cast %get3A_631 : vector<1x16xf32> to vector<16xf32>
    %mul3A_633 = arith.mulf %div3A_426, %get3A_632 : vector<16xf32>
    %add3A_634 = arith.addf %add3A_627, %mul3A_633 : vector<16xf32>
    %swap3A_635 = arith.constant 112 : index
    %swap3A_636 = tpu.vector_load %arg14[%swap3A_635] {strides = array<i32>} : memref<512xf32, #tpu.memory_space<vmem>>, vector<16xf32>,
    %swap3A_637 = vector.shape_cast %swap3A_636 : vector<16xf32> to vector<16xf32>
    %swap3A_638 = vector.shape_cast %add3A_634 : vector<16xf32> to vector<16xf32>
    tpu.vector_store %arg14[%swap3A_635], %swap3A_638 {strides = array<i32>} : memref<512xf32, #tpu.memory_space<vmem>>, vector<16xf32>,
    %get3A_639 = arith.constant 0 : i32
    %get3A_640 = arith.index_cast %get3A_639 : i32 to index
    %get3A_641 = arith.constant 128 : index
    %get3A_642 = tpu.vector_load %arg13[%get3A_640, %get3A_641] {strides = array<i32>} : memref<16x512xf32, #tpu.memory_space<vmem>>, vector<1x16xf32>,
    %get3A_643 = vector.shape_cast %get3A_642 : vector<1x16xf32> to vector<16xf32>
    %mul3A_644 = arith.mulf %div3A_424, %get3A_643 : vector<16xf32>
    %get3A_645 = arith.constant 1 : i32
    %get3A_646 = arith.index_cast %get3A_645 : i32 to index
    %get3A_647 = arith.constant 128 : index
    %get3A_648 = tpu.vector_load %arg13[%get3A_646, %get3A_647] {strides = array<i32>} : memref<16x512xf32, #tpu.memory_space<vmem>>, vector<1x16xf32>,
    %get3A_649 = vector.shape_cast %get3A_648 : vector<1x16xf32> to vector<16xf32>
    %mul3A_650 = arith.mulf %div3A_425, %get3A_649 : vector<16xf32>
    %add3A_651 = arith.addf %mul3A_644, %mul3A_650 : vector<16xf32>
    %get3A_652 = arith.constant 2 : i32
    %get3A_653 = arith.index_cast %get3A_652 : i32 to index
    %get3A_654 = arith.constant 128 : index
    %get3A_655 = tpu.vector_load %arg13[%get3A_653, %get3A_654] {strides = array<i32>} : memref<16x512xf32, #tpu.memory_space<vmem>>, vector<1x16xf32>,
    %get3A_656 = vector.shape_cast %get3A_655 : vector<1x16xf32> to vector<16xf32>
    %mul3A_657 = arith.mulf %div3A_426, %get3A_656 : vector<16xf32>
    %add3A_658 = arith.addf %add3A_651, %mul3A_657 : vector<16xf32>
    %swap3A_659 = arith.constant 128 : index
    %swap3A_660 = tpu.vector_load %arg14[%swap3A_659] {strides = array<i32>} : memref<512xf32, #tpu.memory_space<vmem>>, vector<16xf32>,
    %swap3A_661 = vector.shape_cast %swap3A_660 : vector<16xf32> to vector<16xf32>
    %swap3A_662 = vector.shape_cast %add3A_658 : vector<16xf32> to vector<16xf32>
    tpu.vector_store %arg14[%swap3A_659], %swap3A_662 {strides = array<i32>} : memref<512xf32, #tpu.memory_space<vmem>>, vector<16xf32>,
    %get3A_663 = arith.constant 0 : i32
    %get3A_664 = arith.index_cast %get3A_663 : i32 to index
    %get3A_665 = arith.constant 144 : index
    %get3A_666 = tpu.vector_load %arg13[%get3A_664, %get3A_665] {strides = array<i32>} : memref<16x512xf32, #tpu.memory_space<vmem>>, vector<1x16xf32>,
    %get3A_667 = vector.shape_cast %get3A_666 : vector<1x16xf32> to vector<16xf32>
    %mul3A_668 = arith.mulf %div3A_424, %get3A_667 : vector<16xf32>
    %get3A_669 = arith.constant 1 : i32
    %get3A_670 = arith.index_cast %get3A_669 : i32 to index
    %get3A_671 = arith.constant 144 : index
    %get3A_672 = tpu.vector_load %arg13[%get3A_670, %get3A_671] {strides = array<i32>} : memref<16x512xf32, #tpu.memory_space<vmem>>, vector<1x16xf32>,
    %get3A_673 = vector.shape_cast %get3A_672 : vector<1x16xf32> to vector<16xf32>
    %mul3A_674 = arith.mulf %div3A_425, %get3A_673 : vector<16xf32>
    %add3A_675 = arith.addf %mul3A_668, %mul3A_674 : vector<16xf32>
    %get3A_676 = arith.constant 2 : i32
    %get3A_677 = arith.index_cast %get3A_676 : i32 to index
    %get3A_678 = arith.constant 144 : index
    %get3A_679 = tpu.vector_load %arg13[%get3A_677, %get3A_678] {strides = array<i32>} : memref<16x512xf32, #tpu.memory_space<vmem>>, vector<1x16xf32>,
    %get3A_680 = vector.shape_cast %get3A_679 : vector<1x16xf32> to vector<16xf32>
    %mul3A_681 = arith.mulf %div3A_426, %get3A_680 : vector<16xf32>
    %add3A_682 = arith.addf %add3A_675, %mul3A_681 : vector<16xf32>
    %swap3A_683 = arith.constant 144 : index
    %swap3A_684 = tpu.vector_load %arg14[%swap3A_683] {strides = array<i32>} : memref<512xf32, #tpu.memory_space<vmem>>, vector<16xf32>,
    %swap3A_685 = vector.shape_cast %swap3A_684 : vector<16xf32> to vector<16xf32>
    %swap3A_686 = vector.shape_cast %add3A_682 : vector<16xf32> to vector<16xf32>
    tpu.vector_store %arg14[%swap3A_683], %swap3A_686 {strides = array<i32>} : memref<512xf32, #tpu.memory_space<vmem>>, vector<16xf32>,
    %get3A_687 = arith.constant 0 : i32
    %get3A_688 = arith.index_cast %get3A_687 : i32 to index
    %get3A_689 = arith.constant 160 : index
    %get3A_690 = tpu.vector_load %arg13[%get3A_688, %get3A_689] {strides = array<i32>} : memref<16x512xf32, #tpu.memory_space<vmem>>, vector<1x16xf32>,
    %get3A_691 = vector.shape_cast %get3A_690 : vector<1x16xf32> to vector<16xf32>
    %mul3A_692 = arith.mulf %div3A_424, %get3A_691 : vector<16xf32>
    %get3A_693 = arith.constant 1 : i32
    %get3A_694 = arith.index_cast %get3A_693 : i32 to index
    %get3A_695 = arith.constant 160 : index
    %get3A_696 = tpu.vector_load %arg13[%get3A_694, %get3A_695] {strides = array<i32>} : memref<16x512xf32, #tpu.memory_space<vmem>>, vector<1x16xf32>,
    %get3A_697 = vector.shape_cast %get3A_696 : vector<1x16xf32> to vector<16xf32>
    %mul3A_698 = arith.mulf %div3A_425, %get3A_697 : vector<16xf32>
    %add3A_699 = arith.addf %mul3A_692, %mul3A_698 : vector<16xf32>
    %get3A_700 = arith.constant 2 : i32
    %get3A_701 = arith.index_cast %get3A_700 : i32 to index
    %get3A_702 = arith.constant 160 : index
    %get3A_703 = tpu.vector_load %arg13[%get3A_701, %get3A_702] {strides = array<i32>} : memref<16x512xf32, #tpu.memory_space<vmem>>, vector<1x16xf32>,
    %get3A_704 = vector.shape_cast %get3A_703 : vector<1x16xf32> to vector<16xf32>
    %mul3A_705 = arith.mulf %div3A_426, %get3A_704 : vector<16xf32>
    %add3A_706 = arith.addf %add3A_699, %mul3A_705 : vector<16xf32>
    %swap3A_707 = arith.constant 160 : index
    %swap3A_708 = tpu.vector_load %arg14[%swap3A_707] {strides = array<i32>} : memref<512xf32, #tpu.memory_space<vmem>>, vector<16xf32>,
    %swap3A_709 = vector.shape_cast %swap3A_708 : vector<16xf32> to vector<16xf32>
    %swap3A_710 = vector.shape_cast %add3A_706 : vector<16xf32> to vector<16xf32>
    tpu.vector_store %arg14[%swap3A_707], %swap3A_710 {strides = array<i32>} : memref<512xf32, #tpu.memory_space<vmem>>, vector<16xf32>,
    %get3A_711 = arith.constant 0 : i32
    %get3A_712 = arith.index_cast %get3A_711 : i32 to index
    %get3A_713 = arith.constant 176 : index
    %get3A_714 = tpu.vector_load %arg13[%get3A_712, %get3A_713] {strides = array<i32>} : memref<16x512xf32, #tpu.memory_space<vmem>>, vector<1x16xf32>,
    %get3A_715 = vector.shape_cast %get3A_714 : vector<1x16xf32> to vector<16xf32>
    %mul3A_716 = arith.mulf %div3A_424, %get3A_715 : vector<16xf32>
    %get3A_717 = arith.constant 1 : i32
    %get3A_718 = arith.index_cast %get3A_717 : i32 to index
    %get3A_719 = arith.constant 176 : index
    %get3A_720 = tpu.vector_load %arg13[%get3A_718, %get3A_719] {strides = array<i32>} : memref<16x512xf32, #tpu.memory_space<vmem>>, vector<1x16xf32>,
    %get3A_721 = vector.shape_cast %get3A_720 : vector<1x16xf32> to vector<16xf32>
    %mul3A_722 = arith.mulf %div3A_425, %get3A_721 : vector<16xf32>
    %add3A_723 = arith.addf %mul3A_716, %mul3A_722 : vector<16xf32>
    %get3A_724 = arith.constant 2 : i32
    %get3A_725 = arith.index_cast %get3A_724 : i32 to index
    %get3A_726 = arith.constant 176 : index
    %get3A_727 = tpu.vector_load %arg13[%get3A_725, %get3A_726] {strides = array<i32>} : memref<16x512xf32, #tpu.memory_space<vmem>>, vector<1x16xf32>,
    %get3A_728 = vector.shape_cast %get3A_727 : vector<1x16xf32> to vector<16xf32>
    %mul3A_729 = arith.mulf %div3A_426, %get3A_728 : vector<16xf32>
    %add3A_730 = arith.addf %add3A_723, %mul3A_729 : vector<16xf32>
    %swap3A_731 = arith.constant 176 : index
    %swap3A_732 = tpu.vector_load %arg14[%swap3A_731] {strides = array<i32>} : memref<512xf32, #tpu.memory_space<vmem>>, vector<16xf32>,
    %swap3A_733 = vector.shape_cast %swap3A_732 : vector<16xf32> to vector<16xf32>
    %swap3A_734 = vector.shape_cast %add3A_730 : vector<16xf32> to vector<16xf32>
    tpu.vector_store %arg14[%swap3A_731], %swap3A_734 {strides = array<i32>} : memref<512xf32, #tpu.memory_space<vmem>>, vector<16xf32>,
    %get3A_735 = arith.constant 0 : i32
    %get3A_736 = arith.index_cast %get3A_735 : i32 to index
    %get3A_737 = arith.constant 192 : index
    %get3A_738 = tpu.vector_load %arg13[%get3A_736, %get3A_737] {strides = array<i32>} : memref<16x512xf32, #tpu.memory_space<vmem>>, vector<1x16xf32>,
    %get3A_739 = vector.shape_cast %get3A_738 : vector<1x16xf32> to vector<16xf32>
    %mul3A_740 = arith.mulf %div3A_424, %get3A_739 : vector<16xf32>
    %get3A_741 = arith.constant 1 : i32
    %get3A_742 = arith.index_cast %get3A_741 : i32 to index
    %get3A_743 = arith.constant 192 : index
    %get3A_744 = tpu.vector_load %arg13[%get3A_742, %get3A_743] {strides = array<i32>} : memref<16x512xf32, #tpu.memory_space<vmem>>, vector<1x16xf32>,
    %get3A_745 = vector.shape_cast %get3A_744 : vector<1x16xf32> to vector<16xf32>
    %mul3A_746 = arith.mulf %div3A_425, %get3A_745 : vector<16xf32>
    %add3A_747 = arith.addf %mul3A_740, %mul3A_746 : vector<16xf32>
    %get3A_748 = arith.constant 2 : i32
    %get3A_749 = arith.index_cast %get3A_748 : i32 to index
    %get3A_750 = arith.constant 192 : index
    %get3A_751 = tpu.vector_load %arg13[%get3A_749, %get3A_750] {strides = array<i32>} : memref<16x512xf32, #tpu.memory_space<vmem>>, vector<1x16xf32>,
    %get3A_752 = vector.shape_cast %get3A_751 : vector<1x16xf32> to vector<16xf32>
    %mul3A_753 = arith.mulf %div3A_426, %get3A_752 : vector<16xf32>
    %add3A_754 = arith.addf %add3A_747, %mul3A_753 : vector<16xf32>
    %swap3A_755 = arith.constant 192 : index
    %swap3A_756 = tpu.vector_load %arg14[%swap3A_755] {strides = array<i32>} : memref<512xf32, #tpu.memory_space<vmem>>, vector<16xf32>,
    %swap3A_757 = vector.shape_cast %swap3A_756 : vector<16xf32> to vector<16xf32>
    %swap3A_758 = vector.shape_cast %add3A_754 : vector<16xf32> to vector<16xf32>
    tpu.vector_store %arg14[%swap3A_755], %swap3A_758 {strides = array<i32>} : memref<512xf32, #tpu.memory_space<vmem>>, vector<16xf32>,
    %get3A_759 = arith.constant 0 : i32
    %get3A_760 = arith.index_cast %get3A_759 : i32 to index
    %get3A_761 = arith.constant 208 : index
    %get3A_762 = tpu.vector_load %arg13[%get3A_760, %get3A_761] {strides = array<i32>} : memref<16x512xf32, #tpu.memory_space<vmem>>, vector<1x16xf32>,
    %get3A_763 = vector.shape_cast %get3A_762 : vector<1x16xf32> to vector<16xf32>
    %mul3A_764 = arith.mulf %div3A_424, %get3A_763 : vector<16xf32>
    %get3A_765 = arith.constant 1 : i32
    %get3A_766 = arith.index_cast %get3A_765 : i32 to index
    %get3A_767 = arith.constant 208 : index
    %get3A_768 = tpu.vector_load %arg13[%get3A_766, %get3A_767] {strides = array<i32>} : memref<16x512xf32, #tpu.memory_space<vmem>>, vector<1x16xf32>,
    %get3A_769 = vector.shape_cast %get3A_768 : vector<1x16xf32> to vector<16xf32>
    %mul3A_770 = arith.mulf %div3A_425, %get3A_769 : vector<16xf32>
    %add3A_771 = arith.addf %mul3A_764, %mul3A_770 : vector<16xf32>
    %get3A_772 = arith.constant 2 : i32
    %get3A_773 = arith.index_cast %get3A_772 : i32 to index
    %get3A_774 = arith.constant 208 : index
    %get3A_775 = tpu.vector_load %arg13[%get3A_773, %get3A_774] {strides = array<i32>} : memref<16x512xf32, #tpu.memory_space<vmem>>, vector<1x16xf32>,
    %get3A_776 = vector.shape_cast %get3A_775 : vector<1x16xf32> to vector<16xf32>
    %mul3A_777 = arith.mulf %div3A_426, %get3A_776 : vector<16xf32>
    %add3A_778 = arith.addf %add3A_771, %mul3A_777 : vector<16xf32>
    %swap3A_779 = arith.constant 208 : index
    %swap3A_780 = tpu.vector_load %arg14[%swap3A_779] {strides = array<i32>} : memref<512xf32, #tpu.memory_space<vmem>>, vector<16xf32>,
    %swap3A_781 = vector.shape_cast %swap3A_780 : vector<16xf32> to vector<16xf32>
    %swap3A_782 = vector.shape_cast %add3A_778 : vector<16xf32> to vector<16xf32>
    tpu.vector_store %arg14[%swap3A_779], %swap3A_782 {strides = array<i32>} : memref<512xf32, #tpu.memory_space<vmem>>, vector<16xf32>,
    %get3A_783 = arith.constant 0 : i32
    %get3A_784 = arith.index_cast %get3A_783 : i32 to index
    %get3A_785 = arith.constant 224 : index
    %get3A_786 = tpu.vector_load %arg13[%get3A_784, %get3A_785] {strides = array<i32>} : memref<16x512xf32, #tpu.memory_space<vmem>>, vector<1x16xf32>,
    %get3A_787 = vector.shape_cast %get3A_786 : vector<1x16xf32> to vector<16xf32>
    %mul3A_788 = arith.mulf %div3A_424, %get3A_787 : vector<16xf32>
    %get3A_789 = arith.constant 1 : i32
    %get3A_790 = arith.index_cast %get3A_789 : i32 to index
    %get3A_791 = arith.constant 224 : index
    %get3A_792 = tpu.vector_load %arg13[%get3A_790, %get3A_791] {strides = array<i32>} : memref<16x512xf32, #tpu.memory_space<vmem>>, vector<1x16xf32>,
    %get3A_793 = vector.shape_cast %get3A_792 : vector<1x16xf32> to vector<16xf32>
    %mul3A_794 = arith.mulf %div3A_425, %get3A_793 : vector<16xf32>
    %add3A_795 = arith.addf %mul3A_788, %mul3A_794 : vector<16xf32>
    %get3A_796 = arith.constant 2 : i32
    %get3A_797 = arith.index_cast %get3A_796 : i32 to index
    %get3A_798 = arith.constant 224 : index
    %get3A_799 = tpu.vector_load %arg13[%get3A_797, %get3A_798] {strides = array<i32>} : memref<16x512xf32, #tpu.memory_space<vmem>>, vector<1x16xf32>,
    %get3A_800 = vector.shape_cast %get3A_799 : vector<1x16xf32> to vector<16xf32>
    %mul3A_801 = arith.mulf %div3A_426, %get3A_800 : vector<16xf32>
    %add3A_802 = arith.addf %add3A_795, %mul3A_801 : vector<16xf32>
    %swap3A_803 = arith.constant 224 : index
    %swap3A_804 = tpu.vector_load %arg14[%swap3A_803] {strides = array<i32>} : memref<512xf32, #tpu.memory_space<vmem>>, vector<16xf32>,
    %swap3A_805 = vector.shape_cast %swap3A_804 : vector<16xf32> to vector<16xf32>
    %swap3A_806 = vector.shape_cast %add3A_802 : vector<16xf32> to vector<16xf32>
    tpu.vector_store %arg14[%swap3A_803], %swap3A_806 {strides = array<i32>} : memref<512xf32, #tpu.memory_space<vmem>>, vector<16xf32>,
    %get3A_807 = arith.constant 0 : i32
    %get3A_808 = arith.index_cast %get3A_807 : i32 to index
    %get3A_809 = arith.constant 240 : index
    %get3A_810 = tpu.vector_load %arg13[%get3A_808, %get3A_809] {strides = array<i32>} : memref<16x512xf32, #tpu.memory_space<vmem>>, vector<1x16xf32>,
    %get3A_811 = vector.shape_cast %get3A_810 : vector<1x16xf32> to vector<16xf32>
    %mul3A_812 = arith.mulf %div3A_424, %get3A_811 : vector<16xf32>
    %get3A_813 = arith.constant 1 : i32
    %get3A_814 = arith.index_cast %get3A_813 : i32 to index
    %get3A_815 = arith.constant 240 : index
    %get3A_816 = tpu.vector_load %arg13[%get3A_814, %get3A_815] {strides = array<i32>} : memref<16x512xf32, #tpu.memory_space<vmem>>, vector<1x16xf32>,
    %get3A_817 = vector.shape_cast %get3A_816 : vector<1x16xf32> to vector<16xf32>
    %mul3A_818 = arith.mulf %div3A_425, %get3A_817 : vector<16xf32>
    %add3A_819 = arith.addf %mul3A_812, %mul3A_818 : vector<16xf32>
    %get3A_820 = arith.constant 2 : i32
    %get3A_821 = arith.index_cast %get3A_820 : i32 to index
    %get3A_822 = arith.constant 240 : index
    %get3A_823 = tpu.vector_load %arg13[%get3A_821, %get3A_822] {strides = array<i32>} : memref<16x512xf32, #tpu.memory_space<vmem>>, vector<1x16xf32>,
    %get3A_824 = vector.shape_cast %get3A_823 : vector<1x16xf32> to vector<16xf32>
    %mul3A_825 = arith.mulf %div3A_426, %get3A_824 : vector<16xf32>
    %add3A_826 = arith.addf %add3A_819, %mul3A_825 : vector<16xf32>
    %swap3A_827 = arith.constant 240 : index
    %swap3A_828 = tpu.vector_load %arg14[%swap3A_827] {strides = array<i32>} : memref<512xf32, #tpu.memory_space<vmem>>, vector<16xf32>,
    %swap3A_829 = vector.shape_cast %swap3A_828 : vector<16xf32> to vector<16xf32>
    %swap3A_830 = vector.shape_cast %add3A_826 : vector<16xf32> to vector<16xf32>
    tpu.vector_store %arg14[%swap3A_827], %swap3A_830 {strides = array<i32>} : memref<512xf32, #tpu.memory_space<vmem>>, vector<16xf32>,
    %get3A_831 = arith.constant 0 : i32
    %get3A_832 = arith.index_cast %get3A_831 : i32 to index
    %get3A_833 = arith.constant 256 : index
    %get3A_834 = tpu.vector_load %arg13[%get3A_832, %get3A_833] {strides = array<i32>} : memref<16x512xf32, #tpu.memory_space<vmem>>, vector<1x16xf32>,
    %get3A_835 = vector.shape_cast %get3A_834 : vector<1x16xf32> to vector<16xf32>
    %mul3A_836 = arith.mulf %div3A_424, %get3A_835 : vector<16xf32>
    %get3A_837 = arith.constant 1 : i32
    %get3A_838 = arith.index_cast %get3A_837 : i32 to index
    %get3A_839 = arith.constant 256 : index
    %get3A_840 = tpu.vector_load %arg13[%get3A_838, %get3A_839] {strides = array<i32>} : memref<16x512xf32, #tpu.memory_space<vmem>>, vector<1x16xf32>,
    %get3A_841 = vector.shape_cast %get3A_840 : vector<1x16xf32> to vector<16xf32>
    %mul3A_842 = arith.mulf %div3A_425, %get3A_841 : vector<16xf32>
    %add3A_843 = arith.addf %mul3A_836, %mul3A_842 : vector<16xf32>
    %get3A_844 = arith.constant 2 : i32
    %get3A_845 = arith.index_cast %get3A_844 : i32 to index
    %get3A_846 = arith.constant 256 : index
    %get3A_847 = tpu.vector_load %arg13[%get3A_845, %get3A_846] {strides = array<i32>} : memref<16x512xf32, #tpu.memory_space<vmem>>, vector<1x16xf32>,
    %get3A_848 = vector.shape_cast %get3A_847 : vector<1x16xf32> to vector<16xf32>
    %mul3A_849 = arith.mulf %div3A_426, %get3A_848 : vector<16xf32>
    %add3A_850 = arith.addf %add3A_843, %mul3A_849 : vector<16xf32>
    %swap3A_851 = arith.constant 256 : index
    %swap3A_852 = tpu.vector_load %arg14[%swap3A_851] {strides = array<i32>} : memref<512xf32, #tpu.memory_space<vmem>>, vector<16xf32>,
    %swap3A_853 = vector.shape_cast %swap3A_852 : vector<16xf32> to vector<16xf32>
    %swap3A_854 = vector.shape_cast %add3A_850 : vector<16xf32> to vector<16xf32>
    tpu.vector_store %arg14[%swap3A_851], %swap3A_854 {strides = array<i32>} : memref<512xf32, #tpu.memory_space<vmem>>, vector<16xf32>,
    %get3A_855 = arith.constant 0 : i32
    %get3A_856 = arith.index_cast %get3A_855 : i32 to index
    %get3A_857 = arith.constant 272 : index
    %get3A_858 = tpu.vector_load %arg13[%get3A_856, %get3A_857] {strides = array<i32>} : memref<16x512xf32, #tpu.memory_space<vmem>>, vector<1x16xf32>,
    %get3A_859 = vector.shape_cast %get3A_858 : vector<1x16xf32> to vector<16xf32>
    %mul3A_860 = arith.mulf %div3A_424, %get3A_859 : vector<16xf32>
    %get3A_861 = arith.constant 1 : i32
    %get3A_862 = arith.index_cast %get3A_861 : i32 to index
    %get3A_863 = arith.constant 272 : index
    %get3A_864 = tpu.vector_load %arg13[%get3A_862, %get3A_863] {strides = array<i32>} : memref<16x512xf32, #tpu.memory_space<vmem>>, vector<1x16xf32>,
    %get3A_865 = vector.shape_cast %get3A_864 : vector<1x16xf32> to vector<16xf32>
    %mul3A_866 = arith.mulf %div3A_425, %get3A_865 : vector<16xf32>
    %add3A_867 = arith.addf %mul3A_860, %mul3A_866 : vector<16xf32>
    %get3A_868 = arith.constant 2 : i32
    %get3A_869 = arith.index_cast %get3A_868 : i32 to index
    %get3A_870 = arith.constant 272 : index
    %get3A_871 = tpu.vector_load %arg13[%get3A_869, %get3A_870] {strides = array<i32>} : memref<16x512xf32, #tpu.memory_space<vmem>>, vector<1x16xf32>,
    %get3A_872 = vector.shape_cast %get3A_871 : vector<1x16xf32> to vector<16xf32>
    %mul3A_873 = arith.mulf %div3A_426, %get3A_872 : vector<16xf32>
    %add3A_874 = arith.addf %add3A_867, %mul3A_873 : vector<16xf32>
    %swap3A_875 = arith.constant 272 : index
    %swap3A_876 = tpu.vector_load %arg14[%swap3A_875] {strides = array<i32>} : memref<512xf32, #tpu.memory_space<vmem>>, vector<16xf32>,
    %swap3A_877 = vector.shape_cast %swap3A_876 : vector<16xf32> to vector<16xf32>
    %swap3A_878 = vector.shape_cast %add3A_874 : vector<16xf32> to vector<16xf32>
    tpu.vector_store %arg14[%swap3A_875], %swap3A_878 {strides = array<i32>} : memref<512xf32, #tpu.memory_space<vmem>>, vector<16xf32>,
    %get3A_879 = arith.constant 0 : i32
    %get3A_880 = arith.index_cast %get3A_879 : i32 to index
    %get3A_881 = arith.constant 288 : index
    %get3A_882 = tpu.vector_load %arg13[%get3A_880, %get3A_881] {strides = array<i32>} : memref<16x512xf32, #tpu.memory_space<vmem>>, vector<1x16xf32>,
    %get3A_883 = vector.shape_cast %get3A_882 : vector<1x16xf32> to vector<16xf32>
    %mul3A_884 = arith.mulf %div3A_424, %get3A_883 : vector<16xf32>
    %get3A_885 = arith.constant 1 : i32
    %get3A_886 = arith.index_cast %get3A_885 : i32 to index
    %get3A_887 = arith.constant 288 : index
    %get3A_888 = tpu.vector_load %arg13[%get3A_886, %get3A_887] {strides = array<i32>} : memref<16x512xf32, #tpu.memory_space<vmem>>, vector<1x16xf32>,
    %get3A_889 = vector.shape_cast %get3A_888 : vector<1x16xf32> to vector<16xf32>
    %mul3A_890 = arith.mulf %div3A_425, %get3A_889 : vector<16xf32>
    %add3A_891 = arith.addf %mul3A_884, %mul3A_890 : vector<16xf32>
    %get3A_892 = arith.constant 2 : i32
    %get3A_893 = arith.index_cast %get3A_892 : i32 to index
    %get3A_894 = arith.constant 288 : index
    %get3A_895 = tpu.vector_load %arg13[%get3A_893, %get3A_894] {strides = array<i32>} : memref<16x512xf32, #tpu.memory_space<vmem>>, vector<1x16xf32>,
    %get3A_896 = vector.shape_cast %get3A_895 : vector<1x16xf32> to vector<16xf32>
    %mul3A_897 = arith.mulf %div3A_426, %get3A_896 : vector<16xf32>
    %add3A_898 = arith.addf %add3A_891, %mul3A_897 : vector<16xf32>
    %swap3A_899 = arith.constant 288 : index
    %swap3A_900 = tpu.vector_load %arg14[%swap3A_899] {strides = array<i32>} : memref<512xf32, #tpu.memory_space<vmem>>, vector<16xf32>,
    %swap3A_901 = vector.shape_cast %swap3A_900 : vector<16xf32> to vector<16xf32>
    %swap3A_902 = vector.shape_cast %add3A_898 : vector<16xf32> to vector<16xf32>
    tpu.vector_store %arg14[%swap3A_899], %swap3A_902 {strides = array<i32>} : memref<512xf32, #tpu.memory_space<vmem>>, vector<16xf32>,
    %get3A_903 = arith.constant 0 : i32
    %get3A_904 = arith.index_cast %get3A_903 : i32 to index
    %get3A_905 = arith.constant 304 : index
    %get3A_906 = tpu.vector_load %arg13[%get3A_904, %get3A_905] {strides = array<i32>} : memref<16x512xf32, #tpu.memory_space<vmem>>, vector<1x16xf32>,
    %get3A_907 = vector.shape_cast %get3A_906 : vector<1x16xf32> to vector<16xf32>
    %mul3A_908 = arith.mulf %div3A_424, %get3A_907 : vector<16xf32>
    %get3A_909 = arith.constant 1 : i32
    %get3A_910 = arith.index_cast %get3A_909 : i32 to index
    %get3A_911 = arith.constant 304 : index
    %get3A_912 = tpu.vector_load %arg13[%get3A_910, %get3A_911] {strides = array<i32>} : memref<16x512xf32, #tpu.memory_space<vmem>>, vector<1x16xf32>,
    %get3A_913 = vector.shape_cast %get3A_912 : vector<1x16xf32> to vector<16xf32>
    %mul3A_914 = arith.mulf %div3A_425, %get3A_913 : vector<16xf32>
    %add3A_915 = arith.addf %mul3A_908, %mul3A_914 : vector<16xf32>
    %get3A_916 = arith.constant 2 : i32
    %get3A_917 = arith.index_cast %get3A_916 : i32 to index
    %get3A_918 = arith.constant 304 : index
    %get3A_919 = tpu.vector_load %arg13[%get3A_917, %get3A_918] {strides = array<i32>} : memref<16x512xf32, #tpu.memory_space<vmem>>, vector<1x16xf32>,
    %get3A_920 = vector.shape_cast %get3A_919 : vector<1x16xf32> to vector<16xf32>
    %mul3A_921 = arith.mulf %div3A_426, %get3A_920 : vector<16xf32>
    %add3A_922 = arith.addf %add3A_915, %mul3A_921 : vector<16xf32>
    %swap3A_923 = arith.constant 304 : index
    %swap3A_924 = tpu.vector_load %arg14[%swap3A_923] {strides = array<i32>} : memref<512xf32, #tpu.memory_space<vmem>>, vector<16xf32>,
    %swap3A_925 = vector.shape_cast %swap3A_924 : vector<16xf32> to vector<16xf32>
    %swap3A_926 = vector.shape_cast %add3A_922 : vector<16xf32> to vector<16xf32>
    tpu.vector_store %arg14[%swap3A_923], %swap3A_926 {strides = array<i32>} : memref<512xf32, #tpu.memory_space<vmem>>, vector<16xf32>,
    %get3A_927 = arith.constant 0 : i32
    %get3A_928 = arith.index_cast %get3A_927 : i32 to index
    %get3A_929 = arith.constant 320 : index
    %get3A_930 = tpu.vector_load %arg13[%get3A_928, %get3A_929] {strides = array<i32>} : memref<16x512xf32, #tpu.memory_space<vmem>>, vector<1x16xf32>,
    %get3A_931 = vector.shape_cast %get3A_930 : vector<1x16xf32> to vector<16xf32>
    %mul3A_932 = arith.mulf %div3A_424, %get3A_931 : vector<16xf32>
    %get3A_933 = arith.constant 1 : i32
    %get3A_934 = arith.index_cast %get3A_933 : i32 to index
    %get3A_935 = arith.constant 320 : index
    %get3A_936 = tpu.vector_load %arg13[%get3A_934, %get3A_935] {strides = array<i32>} : memref<16x512xf32, #tpu.memory_space<vmem>>, vector<1x16xf32>,
    %get3A_937 = vector.shape_cast %get3A_936 : vector<1x16xf32> to vector<16xf32>
    %mul3A_938 = arith.mulf %div3A_425, %get3A_937 : vector<16xf32>
    %add3A_939 = arith.addf %mul3A_932, %mul3A_938 : vector<16xf32>
    %get3A_940 = arith.constant 2 : i32
    %get3A_941 = arith.index_cast %get3A_940 : i32 to index
    %get3A_942 = arith.constant 320 : index
    %get3A_943 = tpu.vector_load %arg13[%get3A_941, %get3A_942] {strides = array<i32>} : memref<16x512xf32, #tpu.memory_space<vmem>>, vector<1x16xf32>,
    %get3A_944 = vector.shape_cast %get3A_943 : vector<1x16xf32> to vector<16xf32>
    %mul3A_945 = arith.mulf %div3A_426, %get3A_944 : vector<16xf32>
    %add3A_946 = arith.addf %add3A_939, %mul3A_945 : vector<16xf32>
    %swap3A_947 = arith.constant 320 : index
    %swap3A_948 = tpu.vector_load %arg14[%swap3A_947] {strides = array<i32>} : memref<512xf32, #tpu.memory_space<vmem>>, vector<16xf32>,
    %swap3A_949 = vector.shape_cast %swap3A_948 : vector<16xf32> to vector<16xf32>
    %swap3A_950 = vector.shape_cast %add3A_946 : vector<16xf32> to vector<16xf32>
    tpu.vector_store %arg14[%swap3A_947], %swap3A_950 {strides = array<i32>} : memref<512xf32, #tpu.memory_space<vmem>>, vector<16xf32>,
    %get3A_951 = arith.constant 0 : i32
    %get3A_952 = arith.index_cast %get3A_951 : i32 to index
    %get3A_953 = arith.constant 336 : index
    %get3A_954 = tpu.vector_load %arg13[%get3A_952, %get3A_953] {strides = array<i32>} : memref<16x512xf32, #tpu.memory_space<vmem>>, vector<1x16xf32>,
    %get3A_955 = vector.shape_cast %get3A_954 : vector<1x16xf32> to vector<16xf32>
    %mul3A_956 = arith.mulf %div3A_424, %get3A_955 : vector<16xf32>
    %get3A_957 = arith.constant 1 : i32
    %get3A_958 = arith.index_cast %get3A_957 : i32 to index
    %get3A_959 = arith.constant 336 : index
    %get3A_960 = tpu.vector_load %arg13[%get3A_958, %get3A_959] {strides = array<i32>} : memref<16x512xf32, #tpu.memory_space<vmem>>, vector<1x16xf32>,
    %get3A_961 = vector.shape_cast %get3A_960 : vector<1x16xf32> to vector<16xf32>
    %mul3A_962 = arith.mulf %div3A_425, %get3A_961 : vector<16xf32>
    %add3A_963 = arith.addf %mul3A_956, %mul3A_962 : vector<16xf32>
    %get3A_964 = arith.constant 2 : i32
    %get3A_965 = arith.index_cast %get3A_964 : i32 to index
    %get3A_966 = arith.constant 336 : index
    %get3A_967 = tpu.vector_load %arg13[%get3A_965, %get3A_966] {strides = array<i32>} : memref<16x512xf32, #tpu.memory_space<vmem>>, vector<1x16xf32>,
    %get3A_968 = vector.shape_cast %get3A_967 : vector<1x16xf32> to vector<16xf32>
    %mul3A_969 = arith.mulf %div3A_426, %get3A_968 : vector<16xf32>
    %add3A_970 = arith.addf %add3A_963, %mul3A_969 : vector<16xf32>
    %swap3A_971 = arith.constant 336 : index
    %swap3A_972 = tpu.vector_load %arg14[%swap3A_971] {strides = array<i32>} : memref<512xf32, #tpu.memory_space<vmem>>, vector<16xf32>,
    %swap3A_973 = vector.shape_cast %swap3A_972 : vector<16xf32> to vector<16xf32>
    %swap3A_974 = vector.shape_cast %add3A_970 : vector<16xf32> to vector<16xf32>
    tpu.vector_store %arg14[%swap3A_971], %swap3A_974 {strides = array<i32>} : memref<512xf32, #tpu.memory_space<vmem>>, vector<16xf32>,
    %get3A_975 = arith.constant 0 : i32
    %get3A_976 = arith.index_cast %get3A_975 : i32 to index
    %get3A_977 = arith.constant 352 : index
    %get3A_978 = tpu.vector_load %arg13[%get3A_976, %get3A_977] {strides = array<i32>} : memref<16x512xf32, #tpu.memory_space<vmem>>, vector<1x16xf32>,
    %get3A_979 = vector.shape_cast %get3A_978 : vector<1x16xf32> to vector<16xf32>
    %mul3A_980 = arith.mulf %div3A_424, %get3A_979 : vector<16xf32>
    %get3A_981 = arith.constant 1 : i32
    %get3A_982 = arith.index_cast %get3A_981 : i32 to index
    %get3A_983 = arith.constant 352 : index
    %get3A_984 = tpu.vector_load %arg13[%get3A_982, %get3A_983] {strides = array<i32>} : memref<16x512xf32, #tpu.memory_space<vmem>>, vector<1x16xf32>,
    %get3A_985 = vector.shape_cast %get3A_984 : vector<1x16xf32> to vector<16xf32>
    %mul3A_986 = arith.mulf %div3A_425, %get3A_985 : vector<16xf32>
    %add3A_987 = arith.addf %mul3A_980, %mul3A_986 : vector<16xf32>
    %get3A_988 = arith.constant 2 : i32
    %get3A_989 = arith.index_cast %get3A_988 : i32 to index
    %get3A_990 = arith.constant 352 : index
    %get3A_991 = tpu.vector_load %arg13[%get3A_989, %get3A_990] {strides = array<i32>} : memref<16x512xf32, #tpu.memory_space<vmem>>, vector<1x16xf32>,
    %get3A_992 = vector.shape_cast %get3A_991 : vector<1x16xf32> to vector<16xf32>
    %mul3A_993 = arith.mulf %div3A_426, %get3A_992 : vector<16xf32>
    %add3A_994 = arith.addf %add3A_987, %mul3A_993 : vector<16xf32>
    %swap3A_995 = arith.constant 352 : index
    %swap3A_996 = tpu.vector_load %arg14[%swap3A_995] {strides = array<i32>} : memref<512xf32, #tpu.memory_space<vmem>>, vector<16xf32>,
    %swap3A_997 = vector.shape_cast %swap3A_996 : vector<16xf32> to vector<16xf32>
    %swap3A_998 = vector.shape_cast %add3A_994 : vector<16xf32> to vector<16xf32>
    tpu.vector_store %arg14[%swap3A_995], %swap3A_998 {strides = array<i32>} : memref<512xf32, #tpu.memory_space<vmem>>, vector<16xf32>,
    %get3A_999 = arith.constant 0 : i32
    %get3A_1000 = arith.index_cast %get3A_999 : i32 to index
    %get3A_1001 = arith.constant 368 : index
    %get3A_1002 = tpu.vector_load %arg13[%get3A_1000, %get3A_1001] {strides = array<i32>} : memref<16x512xf32, #tpu.memory_space<vmem>>, vector<1x16xf32>,
    %get3A_1003 = vector.shape_cast %get3A_1002 : vector<1x16xf32> to vector<16xf32>
    %mul3A_1004 = arith.mulf %div3A_424, %get3A_1003 : vector<16xf32>
    %get3A_1005 = arith.constant 1 : i32
    %get3A_1006 = arith.index_cast %get3A_1005 : i32 to index
    %get3A_1007 = arith.constant 368 : index
    %get3A_1008 = tpu.vector_load %arg13[%get3A_1006, %get3A_1007] {strides = array<i32>} : memref<16x512xf32, #tpu.memory_space<vmem>>, vector<1x16xf32>,
    %get3A_1009 = vector.shape_cast %get3A_1008 : vector<1x16xf32> to vector<16xf32>
    %mul3A_1010 = arith.mulf %div3A_425, %get3A_1009 : vector<16xf32>
    %add3A_1011 = arith.addf %mul3A_1004, %mul3A_1010 : vector<16xf32>
    %get3A_1012 = arith.constant 2 : i32
    %get3A_1013 = arith.index_cast %get3A_1012 : i32 to index
    %get3A_1014 = arith.constant 368 : index
    %get3A_1015 = tpu.vector_load %arg13[%get3A_1013, %get3A_1014] {strides = array<i32>} : memref<16x512xf32, #tpu.memory_space<vmem>>, vector<1x16xf32>,
    %get3A_1016 = vector.shape_cast %get3A_1015 : vector<1x16xf32> to vector<16xf32>
    %mul3A_1017 = arith.mulf %div3A_426, %get3A_1016 : vector<16xf32>
    %add3A_1018 = arith.addf %add3A_1011, %mul3A_1017 : vector<16xf32>
    %swap3A_1019 = arith.constant 368 : index
    %swap3A_1020 = tpu.vector_load %arg14[%swap3A_1019] {strides = array<i32>} : memref<512xf32, #tpu.memory_space<vmem>>, vector<16xf32>,
    %swap3A_1021 = vector.shape_cast %swap3A_1020 : vector<16xf32> to vector<16xf32>
    %swap3A_1022 = vector.shape_cast %add3A_1018 : vector<16xf32> to vector<16xf32>
    tpu.vector_store %arg14[%swap3A_1019], %swap3A_1022 {strides = array<i32>} : memref<512xf32, #tpu.memory_space<vmem>>, vector<16xf32>,
    %get3A_1023 = arith.constant 0 : i32
    %get3A_1024 = arith.index_cast %get3A_1023 : i32 to index
    %get3A_1025 = arith.constant 384 : index
    %get3A_1026 = tpu.vector_load %arg13[%get3A_1024, %get3A_1025] {strides = array<i32>} : memref<16x512xf32, #tpu.memory_space<vmem>>, vector<1x16xf32>,
    %get3A_1027 = vector.shape_cast %get3A_1026 : vector<1x16xf32> to vector<16xf32>
    %mul3A_1028 = arith.mulf %div3A_424, %get3A_1027 : vector<16xf32>
    %get3A_1029 = arith.constant 1 : i32
    %get3A_1030 = arith.index_cast %get3A_1029 : i32 to index
    %get3A_1031 = arith.constant 384 : index
    %get3A_1032 = tpu.vector_load %arg13[%get3A_1030, %get3A_1031] {strides = array<i32>} : memref<16x512xf32, #tpu.memory_space<vmem>>, vector<1x16xf32>,
    %get3A_1033 = vector.shape_cast %get3A_1032 : vector<1x16xf32> to vector<16xf32>
    %mul3A_1034 = arith.mulf %div3A_425, %get3A_1033 : vector<16xf32>
    %add3A_1035 = arith.addf %mul3A_1028, %mul3A_1034 : vector<16xf32>
    %get3A_1036 = arith.constant 2 : i32
    %get3A_1037 = arith.index_cast %get3A_1036 : i32 to index
    %get3A_1038 = arith.constant 384 : index
    %get3A_1039 = tpu.vector_load %arg13[%get3A_1037, %get3A_1038] {strides = array<i32>} : memref<16x512xf32, #tpu.memory_space<vmem>>, vector<1x16xf32>,
    %get3A_1040 = vector.shape_cast %get3A_1039 : vector<1x16xf32> to vector<16xf32>
    %mul3A_1041 = arith.mulf %div3A_426, %get3A_1040 : vector<16xf32>
    %add3A_1042 = arith.addf %add3A_1035, %mul3A_1041 : vector<16xf32>
    %swap3A_1043 = arith.constant 384 : index
    %swap3A_1044 = tpu.vector_load %arg14[%swap3A_1043] {strides = array<i32>} : memref<512xf32, #tpu.memory_space<vmem>>, vector<16xf32>,
    %swap3A_1045 = vector.shape_cast %swap3A_1044 : vector<16xf32> to vector<16xf32>
    %swap3A_1046 = vector.shape_cast %add3A_1042 : vector<16xf32> to vector<16xf32>
    tpu.vector_store %arg14[%swap3A_1043], %swap3A_1046 {strides = array<i32>} : memref<512xf32, #tpu.memory_space<vmem>>, vector<16xf32>,
    %get3A_1047 = arith.constant 0 : i32
    %get3A_1048 = arith.index_cast %get3A_1047 : i32 to index
    %get3A_1049 = arith.constant 400 : index
    %get3A_1050 = tpu.vector_load %arg13[%get3A_1048, %get3A_1049] {strides = array<i32>} : memref<16x512xf32, #tpu.memory_space<vmem>>, vector<1x16xf32>,
    %get3A_1051 = vector.shape_cast %get3A_1050 : vector<1x16xf32> to vector<16xf32>
    %mul3A_1052 = arith.mulf %div3A_424, %get3A_1051 : vector<16xf32>
    %get3A_1053 = arith.constant 1 : i32
    %get3A_1054 = arith.index_cast %get3A_1053 : i32 to index
    %get3A_1055 = arith.constant 400 : index
    %get3A_1056 = tpu.vector_load %arg13[%get3A_1054, %get3A_1055] {strides = array<i32>} : memref<16x512xf32, #tpu.memory_space<vmem>>, vector<1x16xf32>,
    %get3A_1057 = vector.shape_cast %get3A_1056 : vector<1x16xf32> to vector<16xf32>
    %mul3A_1058 = arith.mulf %div3A_425, %get3A_1057 : vector<16xf32>
    %add3A_1059 = arith.addf %mul3A_1052, %mul3A_1058 : vector<16xf32>
    %get3A_1060 = arith.constant 2 : i32
    %get3A_1061 = arith.index_cast %get3A_1060 : i32 to index
    %get3A_1062 = arith.constant 400 : index
    %get3A_1063 = tpu.vector_load %arg13[%get3A_1061, %get3A_1062] {strides = array<i32>} : memref<16x512xf32, #tpu.memory_space<vmem>>, vector<1x16xf32>,
    %get3A_1064 = vector.shape_cast %get3A_1063 : vector<1x16xf32> to vector<16xf32>
    %mul3A_1065 = arith.mulf %div3A_426, %get3A_1064 : vector<16xf32>
    %add3A_1066 = arith.addf %add3A_1059, %mul3A_1065 : vector<16xf32>
    %swap3A_1067 = arith.constant 400 : index
    %swap3A_1068 = tpu.vector_load %arg14[%swap3A_1067] {strides = array<i32>} : memref<512xf32, #tpu.memory_space<vmem>>, vector<16xf32>,
    %swap3A_1069 = vector.shape_cast %swap3A_1068 : vector<16xf32> to vector<16xf32>
    %swap3A_1070 = vector.shape_cast %add3A_1066 : vector<16xf32> to vector<16xf32>
    tpu.vector_store %arg14[%swap3A_1067], %swap3A_1070 {strides = array<i32>} : memref<512xf32, #tpu.memory_space<vmem>>, vector<16xf32>,
    %get3A_1071 = arith.constant 0 : i32
    %get3A_1072 = arith.index_cast %get3A_1071 : i32 to index
    %get3A_1073 = arith.constant 416 : index
    %get3A_1074 = tpu.vector_load %arg13[%get3A_1072, %get3A_1073] {strides = array<i32>} : memref<16x512xf32, #tpu.memory_space<vmem>>, vector<1x16xf32>,
    %get3A_1075 = vector.shape_cast %get3A_1074 : vector<1x16xf32> to vector<16xf32>
    %mul3A_1076 = arith.mulf %div3A_424, %get3A_1075 : vector<16xf32>
    %get3A_1077 = arith.constant 1 : i32
    %get3A_1078 = arith.index_cast %get3A_1077 : i32 to index
    %get3A_1079 = arith.constant 416 : index
    %get3A_1080 = tpu.vector_load %arg13[%get3A_1078, %get3A_1079] {strides = array<i32>} : memref<16x512xf32, #tpu.memory_space<vmem>>, vector<1x16xf32>,
    %get3A_1081 = vector.shape_cast %get3A_1080 : vector<1x16xf32> to vector<16xf32>
    %mul3A_1082 = arith.mulf %div3A_425, %get3A_1081 : vector<16xf32>
    %add3A_1083 = arith.addf %mul3A_1076, %mul3A_1082 : vector<16xf32>
    %get3A_1084 = arith.constant 2 : i32
    %get3A_1085 = arith.index_cast %get3A_1084 : i32 to index
    %get3A_1086 = arith.constant 416 : index
    %get3A_1087 = tpu.vector_load %arg13[%get3A_1085, %get3A_1086] {strides = array<i32>} : memref<16x512xf32, #tpu.memory_space<vmem>>, vector<1x16xf32>,
    %get3A_1088 = vector.shape_cast %get3A_1087 : vector<1x16xf32> to vector<16xf32>
    %mul3A_1089 = arith.mulf %div3A_426, %get3A_1088 : vector<16xf32>
    %add3A_1090 = arith.addf %add3A_1083, %mul3A_1089 : vector<16xf32>
    %swap3A_1091 = arith.constant 416 : index
    %swap3A_1092 = tpu.vector_load %arg14[%swap3A_1091] {strides = array<i32>} : memref<512xf32, #tpu.memory_space<vmem>>, vector<16xf32>,
    %swap3A_1093 = vector.shape_cast %swap3A_1092 : vector<16xf32> to vector<16xf32>
    %swap3A_1094 = vector.shape_cast %add3A_1090 : vector<16xf32> to vector<16xf32>
    tpu.vector_store %arg14[%swap3A_1091], %swap3A_1094 {strides = array<i32>} : memref<512xf32, #tpu.memory_space<vmem>>, vector<16xf32>,
    %get3A_1095 = arith.constant 0 : i32
    %get3A_1096 = arith.index_cast %get3A_1095 : i32 to index
    %get3A_1097 = arith.constant 432 : index
    %get3A_1098 = tpu.vector_load %arg13[%get3A_1096, %get3A_1097] {strides = array<i32>} : memref<16x512xf32, #tpu.memory_space<vmem>>, vector<1x16xf32>,
    %get3A_1099 = vector.shape_cast %get3A_1098 : vector<1x16xf32> to vector<16xf32>
    %mul3A_1100 = arith.mulf %div3A_424, %get3A_1099 : vector<16xf32>
    %get3A_1101 = arith.constant 1 : i32
    %get3A_1102 = arith.index_cast %get3A_1101 : i32 to index
    %get3A_1103 = arith.constant 432 : index
    %get3A_1104 = tpu.vector_load %arg13[%get3A_1102, %get3A_1103] {strides = array<i32>} : memref<16x512xf32, #tpu.memory_space<vmem>>, vector<1x16xf32>,
    %get3A_1105 = vector.shape_cast %get3A_1104 : vector<1x16xf32> to vector<16xf32>
    %mul3A_1106 = arith.mulf %div3A_425, %get3A_1105 : vector<16xf32>
    %add3A_1107 = arith.addf %mul3A_1100, %mul3A_1106 : vector<16xf32>
    %get3A_1108 = arith.constant 2 : i32
    %get3A_1109 = arith.index_cast %get3A_1108 : i32 to index
    %get3A_1110 = arith.constant 432 : index
    %get3A_1111 = tpu.vector_load %arg13[%get3A_1109, %get3A_1110] {strides = array<i32>} : memref<16x512xf32, #tpu.memory_space<vmem>>, vector<1x16xf32>,
    %get3A_1112 = vector.shape_cast %get3A_1111 : vector<1x16xf32> to vector<16xf32>
    %mul3A_1113 = arith.mulf %div3A_426, %get3A_1112 : vector<16xf32>
    %add3A_1114 = arith.addf %add3A_1107, %mul3A_1113 : vector<16xf32>
    %swap3A_1115 = arith.constant 432 : index
    %swap3A_1116 = tpu.vector_load %arg14[%swap3A_1115] {strides = array<i32>} : memref<512xf32, #tpu.memory_space<vmem>>, vector<16xf32>,
    %swap3A_1117 = vector.shape_cast %swap3A_1116 : vector<16xf32> to vector<16xf32>
    %swap3A_1118 = vector.shape_cast %add3A_1114 : vector<16xf32> to vector<16xf32>
    tpu.vector_store %arg14[%swap3A_1115], %swap3A_1118 {strides = array<i32>} : memref<512xf32, #tpu.memory_space<vmem>>, vector<16xf32>,
    %get3A_1119 = arith.constant 0 : i32
    %get3A_1120 = arith.index_cast %get3A_1119 : i32 to index
    %get3A_1121 = arith.constant 448 : index
    %get3A_1122 = tpu.vector_load %arg13[%get3A_1120, %get3A_1121] {strides = array<i32>} : memref<16x512xf32, #tpu.memory_space<vmem>>, vector<1x16xf32>,
    %get3A_1123 = vector.shape_cast %get3A_1122 : vector<1x16xf32> to vector<16xf32>
    %mul3A_1124 = arith.mulf %div3A_424, %get3A_1123 : vector<16xf32>
    %get3A_1125 = arith.constant 1 : i32
    %get3A_1126 = arith.index_cast %get3A_1125 : i32 to index
    %get3A_1127 = arith.constant 448 : index
    %get3A_1128 = tpu.vector_load %arg13[%get3A_1126, %get3A_1127] {strides = array<i32>} : memref<16x512xf32, #tpu.memory_space<vmem>>, vector<1x16xf32>,
    %get3A_1129 = vector.shape_cast %get3A_1128 : vector<1x16xf32> to vector<16xf32>
    %mul3A_1130 = arith.mulf %div3A_425, %get3A_1129 : vector<16xf32>
    %add3A_1131 = arith.addf %mul3A_1124, %mul3A_1130 : vector<16xf32>
    %get3A_1132 = arith.constant 2 : i32
    %get3A_1133 = arith.index_cast %get3A_1132 : i32 to index
    %get3A_1134 = arith.constant 448 : index
    %get3A_1135 = tpu.vector_load %arg13[%get3A_1133, %get3A_1134] {strides = array<i32>} : memref<16x512xf32, #tpu.memory_space<vmem>>, vector<1x16xf32>,
    %get3A_1136 = vector.shape_cast %get3A_1135 : vector<1x16xf32> to vector<16xf32>
    %mul3A_1137 = arith.mulf %div3A_426, %get3A_1136 : vector<16xf32>
    %add3A_1138 = arith.addf %add3A_1131, %mul3A_1137 : vector<16xf32>
    %swap3A_1139 = arith.constant 448 : index
    %swap3A_1140 = tpu.vector_load %arg14[%swap3A_1139] {strides = array<i32>} : memref<512xf32, #tpu.memory_space<vmem>>, vector<16xf32>,
    %swap3A_1141 = vector.shape_cast %swap3A_1140 : vector<16xf32> to vector<16xf32>
    %swap3A_1142 = vector.shape_cast %add3A_1138 : vector<16xf32> to vector<16xf32>
    tpu.vector_store %arg14[%swap3A_1139], %swap3A_1142 {strides = array<i32>} : memref<512xf32, #tpu.memory_space<vmem>>, vector<16xf32>,
    %get3A_1143 = arith.constant 0 : i32
    %get3A_1144 = arith.index_cast %get3A_1143 : i32 to index
    %get3A_1145 = arith.constant 464 : index
    %get3A_1146 = tpu.vector_load %arg13[%get3A_1144, %get3A_1145] {strides = array<i32>} : memref<16x512xf32, #tpu.memory_space<vmem>>, vector<1x16xf32>,
    %get3A_1147 = vector.shape_cast %get3A_1146 : vector<1x16xf32> to vector<16xf32>
    %mul3A_1148 = arith.mulf %div3A_424, %get3A_1147 : vector<16xf32>
    %get3A_1149 = arith.constant 1 : i32
    %get3A_1150 = arith.index_cast %get3A_1149 : i32 to index
    %get3A_1151 = arith.constant 464 : index
    %get3A_1152 = tpu.vector_load %arg13[%get3A_1150, %get3A_1151] {strides = array<i32>} : memref<16x512xf32, #tpu.memory_space<vmem>>, vector<1x16xf32>,
    %get3A_1153 = vector.shape_cast %get3A_1152 : vector<1x16xf32> to vector<16xf32>
    %mul3A_1154 = arith.mulf %div3A_425, %get3A_1153 : vector<16xf32>
    %add3A_1155 = arith.addf %mul3A_1148, %mul3A_1154 : vector<16xf32>
    %get3A_1156 = arith.constant 2 : i32
    %get3A_1157 = arith.index_cast %get3A_1156 : i32 to index
    %get3A_1158 = arith.constant 464 : index
    %get3A_1159 = tpu.vector_load %arg13[%get3A_1157, %get3A_1158] {strides = array<i32>} : memref<16x512xf32, #tpu.memory_space<vmem>>, vector<1x16xf32>,
    %get3A_1160 = vector.shape_cast %get3A_1159 : vector<1x16xf32> to vector<16xf32>
    %mul3A_1161 = arith.mulf %div3A_426, %get3A_1160 : vector<16xf32>
    %add3A_1162 = arith.addf %add3A_1155, %mul3A_1161 : vector<16xf32>
    %swap3A_1163 = arith.constant 464 : index
    %swap3A_1164 = tpu.vector_load %arg14[%swap3A_1163] {strides = array<i32>} : memref<512xf32, #tpu.memory_space<vmem>>, vector<16xf32>,
    %swap3A_1165 = vector.shape_cast %swap3A_1164 : vector<16xf32> to vector<16xf32>
    %swap3A_1166 = vector.shape_cast %add3A_1162 : vector<16xf32> to vector<16xf32>
    tpu.vector_store %arg14[%swap3A_1163], %swap3A_1166 {strides = array<i32>} : memref<512xf32, #tpu.memory_space<vmem>>, vector<16xf32>,
    %get3A_1167 = arith.constant 0 : i32
    %get3A_1168 = arith.index_cast %get3A_1167 : i32 to index
    %get3A_1169 = arith.constant 480 : index
    %get3A_1170 = tpu.vector_load %arg13[%get3A_1168, %get3A_1169] {strides = array<i32>} : memref<16x512xf32, #tpu.memory_space<vmem>>, vector<1x16xf32>,
    %get3A_1171 = vector.shape_cast %get3A_1170 : vector<1x16xf32> to vector<16xf32>
    %mul3A_1172 = arith.mulf %div3A_424, %get3A_1171 : vector<16xf32>
    %get3A_1173 = arith.constant 1 : i32
    %get3A_1174 = arith.index_cast %get3A_1173 : i32 to index
    %get3A_1175 = arith.constant 480 : index
    %get3A_1176 = tpu.vector_load %arg13[%get3A_1174, %get3A_1175] {strides = array<i32>} : memref<16x512xf32, #tpu.memory_space<vmem>>, vector<1x16xf32>,
    %get3A_1177 = vector.shape_cast %get3A_1176 : vector<1x16xf32> to vector<16xf32>
    %mul3A_1178 = arith.mulf %div3A_425, %get3A_1177 : vector<16xf32>
    %add3A_1179 = arith.addf %mul3A_1172, %mul3A_1178 : vector<16xf32>
    %get3A_1180 = arith.constant 2 : i32
    %get3A_1181 = arith.index_cast %get3A_1180 : i32 to index
    %get3A_1182 = arith.constant 480 : index
    %get3A_1183 = tpu.vector_load %arg13[%get3A_1181, %get3A_1182] {strides = array<i32>} : memref<16x512xf32, #tpu.memory_space<vmem>>, vector<1x16xf32>,
    %get3A_1184 = vector.shape_cast %get3A_1183 : vector<1x16xf32> to vector<16xf32>
    %mul3A_1185 = arith.mulf %div3A_426, %get3A_1184 : vector<16xf32>
    %add3A_1186 = arith.addf %add3A_1179, %mul3A_1185 : vector<16xf32>
    %swap3A_1187 = arith.constant 480 : index
    %swap3A_1188 = tpu.vector_load %arg14[%swap3A_1187] {strides = array<i32>} : memref<512xf32, #tpu.memory_space<vmem>>, vector<16xf32>,
    %swap3A_1189 = vector.shape_cast %swap3A_1188 : vector<16xf32> to vector<16xf32>
    %swap3A_1190 = vector.shape_cast %add3A_1186 : vector<16xf32> to vector<16xf32>
    tpu.vector_store %arg14[%swap3A_1187], %swap3A_1190 {strides = array<i32>} : memref<512xf32, #tpu.memory_space<vmem>>, vector<16xf32>,
    %get3A_1191 = arith.constant 0 : i32
    %get3A_1192 = arith.index_cast %get3A_1191 : i32 to index
    %get3A_1193 = arith.constant 496 : index
    %get3A_1194 = tpu.vector_load %arg13[%get3A_1192, %get3A_1193] {strides = array<i32>} : memref<16x512xf32, #tpu.memory_space<vmem>>, vector<1x16xf32>,
    %get3A_1195 = vector.shape_cast %get3A_1194 : vector<1x16xf32> to vector<16xf32>
    %mul3A_1196 = arith.mulf %div3A_424, %get3A_1195 : vector<16xf32>
    %get3A_1197 = arith.constant 1 : i32
    %get3A_1198 = arith.index_cast %get3A_1197 : i32 to index
    %get3A_1199 = arith.constant 496 : index
    %get3A_1200 = tpu.vector_load %arg13[%get3A_1198, %get3A_1199] {strides = array<i32>} : memref<16x512xf32, #tpu.memory_space<vmem>>, vector<1x16xf32>,
    %get3A_1201 = vector.shape_cast %get3A_1200 : vector<1x16xf32> to vector<16xf32>
    %mul3A_1202 = arith.mulf %div3A_425, %get3A_1201 : vector<16xf32>
    %add3A_1203 = arith.addf %mul3A_1196, %mul3A_1202 : vector<16xf32>
    %get3A_1204 = arith.constant 2 : i32
    %get3A_1205 = arith.index_cast %get3A_1204 : i32 to index
    %get3A_1206 = arith.constant 496 : index
    %get3A_1207 = tpu.vector_load %arg13[%get3A_1205, %get3A_1206] {strides = array<i32>} : memref<16x512xf32, #tpu.memory_space<vmem>>, vector<1x16xf32>,
    %get3A_1208 = vector.shape_cast %get3A_1207 : vector<1x16xf32> to vector<16xf32>
    %mul3A_1209 = arith.mulf %div3A_426, %get3A_1208 : vector<16xf32>
    %add3A_1210 = arith.addf %add3A_1203, %mul3A_1209 : vector<16xf32>
    %swap3A_1211 = arith.constant 496 : index
    %swap3A_1212 = tpu.vector_load %arg14[%swap3A_1211] {strides = array<i32>} : memref<512xf32, #tpu.memory_space<vmem>>, vector<16xf32>,
    %swap3A_1213 = vector.shape_cast %swap3A_1212 : vector<16xf32> to vector<16xf32>
    %swap3A_1214 = vector.shape_cast %add3A_1210 : vector<16xf32> to vector<16xf32>
    tpu.vector_store %arg14[%swap3A_1211], %swap3A_1214 {strides = array<i32>} : memref<512xf32, #tpu.memory_space<vmem>>, vector<16xf32>,
    %eq3A_1215 = arith.constant 0 : i32
    %eq3A_1216 = arith.cmpi eq, %arg1, %eq3A_1215 : i32
    %convert_element_type3A = arith.extui %eq3A_1216 : i1 to i32
    %cond3A = arith.constant 0 : i32
    %cond3A_1217 = arith.cmpi ne, %convert_element_type3A, %cond3A : i32
    scf.if %cond3A_1217 {
      "tpu.region"() ({
        %run_scoped3A = tpu.sem_alloc : memref<!tpu.dma_semaphore, #tpu.memory_space<semaphore_mem>>
        tpu.enqueue_dma source(%arg14 : memref<512xf32, #tpu.memory_space<vmem>>) target(%arg4 : memref<512xf32, #tpu.memory_space<hbm>>) target_semaphore(%run_scoped3A : memref<!tpu.dma_semaphore, #tpu.memory_space<semaphore_mem>>)
        tpu.wait_dma2 semaphore(%run_scoped3A : memref<!tpu.dma_semaphore, #tpu.memory_space<semaphore_mem>>) src(%arg14 : memref<512xf32, #tpu.memory_space<vmem>>) dst(%arg4 : memref<512xf32, #tpu.memory_space<hbm>>)
        tpu.yield
      }) : () -> ()
    } else {
    }
    return
  }
}

module attributes {stable_mosaic.version = 14 : i64} {
  func.func @_tc1_body(%arg0: i32, %arg1: memref<1x1024xf32, #tpu.memory_space<vmem>>, %arg2: memref<1024x1024xf32, #tpu.memory_space<vmem>>, %arg3: memref<1x1024xf32, #tpu.memory_space<vmem>>, %arg4: memref<1024x1024xf32, #tpu.memory_space<vmem>>, %arg5: memref<1x1024xf32, #tpu.memory_space<vmem>>, %arg6: memref<1024x512xf32, #tpu.memory_space<vmem>>, %arg7: memref<1x512xf32, #tpu.memory_space<vmem>>, %arg8: memref<1024x1024xf32, #tpu.memory_space<vmem>>, %arg9: memref<1x1024xf32, #tpu.memory_space<vmem>>, %arg10: memref<4096x512xf32, #tpu.memory_space<vmem>>, %arg11: memref<4096xf32, #tpu.memory_space<vmem>>, %arg12: memref<4096xf32, #tpu.memory_space<vmem>>, %arg13: memref<1x1024xf32, #tpu.memory_space<vmem>>, %arg14: memref<1x512xf32, #tpu.memory_space<vmem>>) attributes {dimension_semantics = [#tpu.dimension_semantics<arbitrary>], iteration_bounds = array<i64: 16>, scalar_prefetch = 0 : i64, scratch_operands = 1 : i64, tpu.core_type = #tpu.core_type<tc>, window_params = [{pipeline_mode = #tpu.pipeline_mode<synchronous>, transform_indices = @transform_0, window_bounds = array<i64: 1, 1024>}, {pipeline_mode = #tpu.pipeline_mode<synchronous>, transform_indices = @transform_1, window_bounds = array<i64: 1024, 1024>}, {pipeline_mode = #tpu.pipeline_mode<synchronous>, transform_indices = @transform_2, window_bounds = array<i64: 1, 1024>}, {pipeline_mode = #tpu.pipeline_mode<synchronous>, transform_indices = @transform_3, window_bounds = array<i64: 1024, 1024>}, {pipeline_mode = #tpu.pipeline_mode<synchronous>, transform_indices = @transform_4, window_bounds = array<i64: 1, 1024>}, {pipeline_mode = #tpu.pipeline_mode<synchronous>, transform_indices = @transform_5, window_bounds = array<i64: 1024, 512>}, {pipeline_mode = #tpu.pipeline_mode<synchronous>, transform_indices = @transform_6, window_bounds = array<i64: 1, 512>}, {pipeline_mode = #tpu.pipeline_mode<synchronous>, transform_indices = @transform_7, window_bounds = array<i64: 1024, 1024>}, {pipeline_mode = #tpu.pipeline_mode<synchronous>, transform_indices = @transform_8, window_bounds = array<i64: 1, 1024>}, {transform_indices = @transform_9, window_bounds = array<i64: 4096, 512>}, {transform_indices = @transform_10, window_bounds = array<i64: 4096>}, {transform_indices = @transform_11, window_bounds = array<i64: 4096>}, {pipeline_mode = #tpu.pipeline_mode<synchronous>, transform_indices = @transform_12, window_bounds = array<i64: 1, 1024>}]} {
    %eq3A = arith.constant 0 : i32
    %eq3A_0 = arith.cmpi eq, %arg0, %eq3A : i32
    %convert_element_type3A = arith.extui %eq3A_0 : i1 to i32
    %cond3A = arith.constant 0 : i32
    %cond3A_1 = arith.cmpi ne, %convert_element_type3A, %cond3A : i32
    scf.if %cond3A_1 {
      %get3A_22 = arith.constant 0 : index
      %get3A_23 = arith.constant 0 : index
      %get3A_24 = vector.load %arg1[%get3A_22, %get3A_23] : memref<1x1024xf32, #tpu.memory_space<vmem>>, vector<1x1024xf32>
      %get3A_25 = arith.constant 0 : index
      %get3A_26 = arith.constant 0 : index
      %get3A_27 = vector.load %arg2[%get3A_25, %get3A_26] : memref<1024x1024xf32, #tpu.memory_space<vmem>>, vector<1024x1024xf32>
      %dot_general3A_28 = arith.constant dense<0.000000e+00> : vector<1x1024xf32>
      %dot_general3A_29 = tpu.matmul %get3A_24, %get3A_27, %dot_general3A_28 {dimension_numbers = #tpu.dot_dimension_numbers<[1], [0], [0], [1], [0, 0, 1, 1], [], []>, transpose_lhs_hint = false} : vector<1x1024xf32>, vector<1024x1024xf32>, vector<1x1024xf32> -> vector<1x1024xf32>
      %get3A_30 = arith.constant 0 : index
      %get3A_31 = arith.constant 0 : index
      %get3A_32 = vector.load %arg3[%get3A_30, %get3A_31] : memref<1x1024xf32, #tpu.memory_space<vmem>>, vector<1x1024xf32>
      %add3A = arith.addf %dot_general3A_29, %get3A_32 : vector<1x1024xf32>
      %max3A_33 = arith.constant 0.000000e+00 : f32
      %max3A_34 = vector.broadcast %max3A_33 : f32 to vector<1x1024xf32>
      %max3A_35 = arith.maximumf %add3A, %max3A_34 : vector<1x1024xf32>
      %get3A_36 = arith.constant 0 : index
      %get3A_37 = arith.constant 0 : index
      %get3A_38 = vector.load %arg4[%get3A_36, %get3A_37] : memref<1024x1024xf32, #tpu.memory_space<vmem>>, vector<1024x1024xf32>
      %dot_general3A_39 = arith.constant dense<0.000000e+00> : vector<1x1024xf32>
      %dot_general3A_40 = tpu.matmul %max3A_35, %get3A_38, %dot_general3A_39 {dimension_numbers = #tpu.dot_dimension_numbers<[1], [0], [0], [1], [0, 0, 1, 1], [], []>, transpose_lhs_hint = false} : vector<1x1024xf32>, vector<1024x1024xf32>, vector<1x1024xf32> -> vector<1x1024xf32>
      %get3A_41 = arith.constant 0 : index
      %get3A_42 = arith.constant 0 : index
      %get3A_43 = vector.load %arg5[%get3A_41, %get3A_42] : memref<1x1024xf32, #tpu.memory_space<vmem>>, vector<1x1024xf32>
      %add3A_44 = arith.addf %dot_general3A_40, %get3A_43 : vector<1x1024xf32>
      %get3A_45 = arith.constant 0 : index
      %get3A_46 = arith.constant 0 : index
      %get3A_47 = vector.load %arg6[%get3A_45, %get3A_46] : memref<1024x512xf32, #tpu.memory_space<vmem>>, vector<1024x512xf32>
      %dot_general3A_48 = arith.constant dense<0.000000e+00> : vector<1x512xf32>
      %dot_general3A_49 = tpu.matmul %add3A_44, %get3A_47, %dot_general3A_48 {dimension_numbers = #tpu.dot_dimension_numbers<[1], [0], [0], [1], [0, 0, 1, 1], [], []>, transpose_lhs_hint = false} : vector<1x1024xf32>, vector<1024x512xf32>, vector<1x512xf32> -> vector<1x512xf32>
      %get3A_50 = arith.constant 0 : index
      %get3A_51 = arith.constant 0 : index
      %get3A_52 = vector.load %arg7[%get3A_50, %get3A_51] : memref<1x512xf32, #tpu.memory_space<vmem>>, vector<1x512xf32>
      %add3A_53 = arith.addf %dot_general3A_49, %get3A_52 : vector<1x512xf32>
      %mul3A_54 = arith.mulf %add3A_53, %add3A_53 : vector<1x512xf32>
      %reduce_sum3A = vector.shape_cast %mul3A_54 : vector<1x512xf32> to vector<1x1x512xf32>
      %reduce_sum3A_55 = arith.constant dense<0.000000e+00> : vector<1xf32>
      %reduce_sum3A_56 = vector.multi_reduction <add>, %reduce_sum3A, %reduce_sum3A_55 [1, 2] : vector<1x1x512xf32> to vector<1xf32>
      %reduce_sum3A_57 = vector.shape_cast %reduce_sum3A_56 : vector<1xf32> to vector<1x1x1xf32>
      %reduce_sum3A_58 = vector.extract %reduce_sum3A_57[0, 0, 0] : f32 from vector<1x1x1xf32>
      %sqrt3A_59 = math.sqrt %reduce_sum3A_58 : f32
      %max3A_60 = arith.constant 9.99999996E-13 : f32
      %max3A_61 = arith.maximumf %sqrt3A_59, %max3A_60 : f32
      %div3A_62 = arith.constant 1.000000e+00 : f32
      %div3A_63 = arith.divf %div3A_62, %max3A_61 : f32
      %mul3A_64 = vector.broadcast %div3A_63 : f32 to vector<1x512xf32>
      %mul3A_65 = arith.mulf %add3A_53, %mul3A_64 : vector<1x512xf32>
      %swap3A_66 = arith.constant 0 : index
      %swap3A_67 = arith.constant 0 : index
      %swap3A_68 = vector.load %arg14[%swap3A_66, %swap3A_67] : memref<1x512xf32, #tpu.memory_space<vmem>>, vector<1x512xf32>
      tpu.vector_store %arg14[%swap3A_66, %swap3A_67], %mul3A_65 {strides = array<i32>} : memref<1x512xf32, #tpu.memory_space<vmem>>, vector<1x512xf32>,
      %get3A_69 = arith.constant 0 : index
      %get3A_70 = arith.constant 0 : index
      %get3A_71 = vector.load %arg8[%get3A_69, %get3A_70] : memref<1024x1024xf32, #tpu.memory_space<vmem>>, vector<1024x1024xf32>
      %dot_general3A_72 = arith.constant dense<0.000000e+00> : vector<1x1024xf32>
      %dot_general3A_73 = tpu.matmul %add3A_44, %get3A_71, %dot_general3A_72 {dimension_numbers = #tpu.dot_dimension_numbers<[1], [0], [0], [1], [0, 0, 1, 1], [], []>, transpose_lhs_hint = false} : vector<1x1024xf32>, vector<1024x1024xf32>, vector<1x1024xf32> -> vector<1x1024xf32>
      %get3A_74 = arith.constant 0 : index
      %get3A_75 = arith.constant 0 : index
      %get3A_76 = vector.load %arg9[%get3A_74, %get3A_75] : memref<1x1024xf32, #tpu.memory_space<vmem>>, vector<1x1024xf32>
      %add3A_77 = arith.addf %dot_general3A_73, %get3A_76 : vector<1x1024xf32>
      %swap3A_78 = arith.constant 0 : index
      %swap3A_79 = arith.constant 0 : index
      %swap3A_80 = vector.load %arg13[%swap3A_78, %swap3A_79] : memref<1x1024xf32, #tpu.memory_space<vmem>>, vector<1x1024xf32>
      tpu.vector_store %arg13[%swap3A_78, %swap3A_79], %add3A_77 {strides = array<i32>} : memref<1x1024xf32, #tpu.memory_space<vmem>>, vector<1x1024xf32>,
    } else {
    }
    %get3A = arith.constant 0 : index
    %get3A_2 = arith.constant 0 : index
    %get3A_3 = vector.load %arg10[%get3A, %get3A_2] : memref<4096x512xf32, #tpu.memory_space<vmem>>, vector<4096x512xf32>
    %get3A_4 = arith.constant 0 : index
    %get3A_5 = arith.constant 0 : index
    %get3A_6 = vector.load %arg14[%get3A_4, %get3A_5] : memref<1x512xf32, #tpu.memory_space<vmem>>, vector<1x512xf32>
    %dot_general3A = arith.constant dense<0.000000e+00> : vector<1x4096xf32>
    %dot_general3A_7 = tpu.matmul %get3A_6, %get3A_3, %dot_general3A {dimension_numbers = #tpu.dot_dimension_numbers<[1], [1], [0], [0], [0, 0, 1, 0], [], []>, transpose_lhs_hint = false} : vector<1x512xf32>, vector<4096x512xf32>, vector<1x4096xf32> -> vector<1x4096xf32>
    %broadcast_in_dim3A = arith.constant 1.000000e+00 : bf16
    %broadcast_in_dim3A_8 = vector.broadcast %broadcast_in_dim3A : bf16 to vector<1x512xbf16>
    %mul3A = arith.mulf %get3A_3, %get3A_3 : vector<4096x512xf32>
    %convert_element_type3A_9 = arith.truncf %mul3A : vector<4096x512xf32> to vector<4096x512xbf16>
    %dot_general3A_10 = arith.constant dense<0.000000e+00> : vector<1x4096xf32>
    %dot_general3A_11 = tpu.matmul %broadcast_in_dim3A_8, %convert_element_type3A_9, %dot_general3A_10 {dimension_numbers = #tpu.dot_dimension_numbers<[1], [1], [0], [0], [0, 0, 1, 0], [], []>, transpose_lhs_hint = false} : vector<1x512xbf16>, vector<4096x512xbf16>, vector<1x4096xf32> -> vector<1x4096xf32>
    %sqrt3A = math.sqrt %dot_general3A_11 : vector<1x4096xf32>
    %max3A = arith.constant 9.99999996E-13 : f32
    %max3A_12 = vector.broadcast %max3A : f32 to vector<1x4096xf32>
    %max3A_13 = arith.maximumf %sqrt3A, %max3A_12 : vector<1x4096xf32>
    %div3A = arith.constant 1.000000e+00 : f32
    %div3A_14 = vector.broadcast %div3A : f32 to vector<1x4096xf32>
    %div3A_15 = arith.divf %div3A_14, %max3A_13 : vector<1x4096xf32>
    %mul3A_16 = arith.mulf %dot_general3A_7, %div3A_15 : vector<1x4096xf32>
    %get3A_17 = arith.constant 0 : index
    %get3A_18 = vector.load %arg11[%get3A_17] : memref<4096xf32, #tpu.memory_space<vmem>>, vector<4096xf32>
    %reshape3A = vector.shape_cast %get3A_18 : vector<4096xf32> to vector<1x4096xf32>
    %mul3A_19 = arith.mulf %mul3A_16, %reshape3A : vector<1x4096xf32>
    %reshape3A_20 = vector.shape_cast %mul3A_19 : vector<1x4096xf32> to vector<4096xf32>
    %swap3A = arith.constant 0 : index
    %swap3A_21 = vector.load %arg12[%swap3A] : memref<4096xf32, #tpu.memory_space<vmem>>, vector<4096xf32>
    tpu.vector_store %arg12[%swap3A], %reshape3A_20 {strides = array<i32>} : memref<4096xf32, #tpu.memory_space<vmem>>, vector<4096xf32>,
    return
  }
  func.func @transform_0(%arg0: i32) -> (i32, i32) {
    %c0_i32 = arith.constant 0 : i32
    %c0_i32_0 = arith.constant 0 : i32
    %c0_i32_1 = arith.constant 0 : i32
    return %c0_i32, %c0_i32_0 : i32, i32
  }
  func.func @transform_1(%arg0: i32) -> (i32, i32) {
    %c0_i32 = arith.constant 0 : i32
    %c0_i32_0 = arith.constant 0 : i32
    %c0_i32_1 = arith.constant 0 : i32
    return %c0_i32, %c0_i32_0 : i32, i32
  }
  func.func @transform_2(%arg0: i32) -> (i32, i32) {
    %c0_i32 = arith.constant 0 : i32
    %c0_i32_0 = arith.constant 0 : i32
    %c0_i32_1 = arith.constant 0 : i32
    return %c0_i32, %c0_i32_0 : i32, i32
  }
  func.func @transform_3(%arg0: i32) -> (i32, i32) {
    %c0_i32 = arith.constant 0 : i32
    %c0_i32_0 = arith.constant 0 : i32
    %c0_i32_1 = arith.constant 0 : i32
    return %c0_i32, %c0_i32_0 : i32, i32
  }
  func.func @transform_4(%arg0: i32) -> (i32, i32) {
    %c0_i32 = arith.constant 0 : i32
    %c0_i32_0 = arith.constant 0 : i32
    %c0_i32_1 = arith.constant 0 : i32
    return %c0_i32, %c0_i32_0 : i32, i32
  }
  func.func @transform_5(%arg0: i32) -> (i32, i32) {
    %c0_i32 = arith.constant 0 : i32
    %c0_i32_0 = arith.constant 0 : i32
    %c0_i32_1 = arith.constant 0 : i32
    return %c0_i32, %c0_i32_0 : i32, i32
  }
  func.func @transform_6(%arg0: i32) -> (i32, i32) {
    %c0_i32 = arith.constant 0 : i32
    %c0_i32_0 = arith.constant 0 : i32
    %c0_i32_1 = arith.constant 0 : i32
    return %c0_i32, %c0_i32_0 : i32, i32
  }
  func.func @transform_7(%arg0: i32) -> (i32, i32) {
    %c0_i32 = arith.constant 0 : i32
    %c0_i32_0 = arith.constant 0 : i32
    %c0_i32_1 = arith.constant 0 : i32
    return %c0_i32, %c0_i32_0 : i32, i32
  }
  func.func @transform_8(%arg0: i32) -> (i32, i32) {
    %c0_i32 = arith.constant 0 : i32
    %c0_i32_0 = arith.constant 0 : i32
    %c0_i32_1 = arith.constant 0 : i32
    return %c0_i32, %c0_i32_0 : i32, i32
  }
  func.func @transform_9(%arg0: i32) -> (i32, i32) {
    %c0_i32 = arith.constant 0 : i32
    %c0_i32_0 = arith.constant 0 : i32
    return %arg0, %c0_i32 : i32, i32
  }
  func.func @transform_10(%arg0: i32) -> i32 {
    %c0_i32 = arith.constant 0 : i32
    return %arg0 : i32
  }
  func.func @transform_11(%arg0: i32) -> i32 {
    %c0_i32 = arith.constant 0 : i32
    return %arg0 : i32
  }
  func.func @transform_12(%arg0: i32) -> (i32, i32) {
    %c0_i32 = arith.constant 0 : i32
    %c0_i32_0 = arith.constant 0 : i32
    %c0_i32_1 = arith.constant 0 : i32
    return %c0_i32, %c0_i32_0 : i32, i32
  }
}

module attributes {stable_mosaic.version = 14 : i64} {
  func.func @_tc2_body(%arg0: memref<1x1024xf32, #tpu.memory_space<vmem>>, %arg1: memref<1x512xf32, #tpu.memory_space<vmem>>, %arg2: memref<512x1024xf32, #tpu.memory_space<vmem>>, %arg3: memref<1x1024xf32, #tpu.memory_space<vmem>>) attributes {dimension_semantics = [], scalar_prefetch = 0 : i64, scratch_operands = 0 : i64, tpu.core_type = #tpu.core_type<tc>} {
    %get3A = arith.constant 0 : index
    %get3A_0 = arith.constant 0 : index
    %get3A_1 = vector.load %arg0[%get3A, %get3A_0] : memref<1x1024xf32, #tpu.memory_space<vmem>>, vector<1x1024xf32>
    %get3A_2 = arith.constant 0 : index
    %get3A_3 = arith.constant 0 : index
    %get3A_4 = vector.load %arg1[%get3A_2, %get3A_3] : memref<1x512xf32, #tpu.memory_space<vmem>>, vector<1x512xf32>
    %get3A_5 = arith.constant 0 : index
    %get3A_6 = arith.constant 0 : index
    %get3A_7 = vector.load %arg2[%get3A_5, %get3A_6] : memref<512x1024xf32, #tpu.memory_space<vmem>>, vector<512x1024xf32>
    %dot_general3A = arith.constant dense<0.000000e+00> : vector<1x1024xf32>
    %dot_general3A_8 = tpu.matmul %get3A_4, %get3A_7, %dot_general3A {dimension_numbers = #tpu.dot_dimension_numbers<[1], [0], [0], [1], [0, 0, 1, 1], [], []>, transpose_lhs_hint = false} : vector<1x512xf32>, vector<512x1024xf32>, vector<1x1024xf32> -> vector<1x1024xf32>
    %add3A = arith.addf %get3A_1, %dot_general3A_8 : vector<1x1024xf32>
    %swap3A = arith.constant 0 : index
    %swap3A_9 = arith.constant 0 : index
    %swap3A_10 = vector.load %arg3[%swap3A, %swap3A_9] : memref<1x1024xf32, #tpu.memory_space<vmem>>, vector<1x1024xf32>
    tpu.vector_store %arg3[%swap3A, %swap3A_9], %add3A {strides = array<i32>} : memref<1x1024xf32, #tpu.memory_space<vmem>>, vector<1x1024xf32>,
    return
  }
}

</mosaic_0001>

<sc_bundles>
// kernel: kernel.5.cloned.1.call-start
scs
__scs_entry_jumppad:
0x0: {  	(pc) =	sbr.rel $0x88, $3  }
0x1: {  	(tag) =	ssettag $0x0;
	lr =	simm.s32 $0x1  }
0x2: {  	[smem:$0x3F95] =	sst lr;
	_ =	strace $0xD0000000  }
0x3: {  	_ = 	snop  }
0x4: {  	_ = 	snop  }
0x5: {  	_ = 	snop  }
0x6: {  	_ = 	snop  }
0x7: {  	_ = 	snop  }
__scs_overlays_trampoline_lowered:
0x8: {  	[smem:$0x3FA4] =	sst s0  }
0x9: {  	[smem:$0x3FA5] =	sst s1  }
0xa: {  	[smem:$0x3FA6] =	sst s2  }
0xb: {  	[smem:$0x3FA7] =	sst s3  }
0xc: {  	[smem:$0x3FA8] =	sst s4  }
0xd: {  	[smem:$0x3FA9] =	sst s5  }
0xe: {  	[smem:$0x3FAA] =	sst s6  }
0xf: {  	[smem:$0x3FAB] =	sst s7  }
0x10: {  	[smem:$0x3FAC] =	sst s8  }
0x11: {  	[smem:$0x3FAD] =	sst s9;
	s0 =	simm.s32 @!p0 $0x0  }
0x12: {  	s1 =	sld [smem:$0x3F93];
	s0 =	simm.s32 @p0 $0x1  }
0x13: {  	[smem:$0x3FAE] =	sst s0;
	s0 =	simm.s32 @!p1 $0x0  }
0x14: {  	s2 =	sld [smem:$0x3F92];
	s0 =	simm.s32 @p1 $0x1  }
0x15: {  	[smem:$0x3FAF] =	sst s0;
	s0 =	simm.s32 @!p2 $0x0  }
0x16: {  	s3 =	sld [smem:$0x3FDB];
	s0 =	simm.s32 @p2 $0x1  }
0x17: {  	s4 =	simm.s32 $0x1BF5;
	[smem:$0x3FB1] =	sst s0  }
0x18: {  	s0 =	sld [smem:$0x3F94];
	_ =	swait.ge [sflag:s4], $0x0  }
0x19: {  	s7 =	sld [smem:$0x3F95]  }
0x1a: {  	s8 =	sadd.s32 $0xFFFFE003, lr  }
0x1b: {  	s9 =	sadd.s32 $0xFFFFFEF7, lr;
	s5 =	simm.s32 $0xFFFFFFFF;
	p2 =	slt.u32 s8, $0xFFFFF086  }
0x1c: {  	p1 =	slt.u32 s9, $0xF7A;
	s5 =	simm.s32 @!p2 $0x0  }
0x1d: {  	s5 =	simm.s32 @p1 $0x1;
	p0 =	seq.s32 s7, s2  }
0x1e: {  	s7 =	smul.u32 @!p0 $0xF7A, s2;
	p2 =	seq.s32 @!p0 s5, $0x0  }
0x1f: {  	s9 =	smul.u32 $0xF7A, s1;
	s8 =	simm.s32 @!p0 $0x1BF5;
	p2 =	por !p2, p0  }
0x20: {  	[sflag:s8] =	ssyncset.s32 @!p0 $0xFFFFF086;
	s6 =	sadd.s32 @!p0 s3, s7;
	s7 =	simm.s32 @!p0 $0x108  }
0x21: {  	s3 =	sadd.s32 s3, s9;
	s6 =	sadd.s32 @!p0 $0x88, s6;
	s7 =	simm.s32 @p2 $0x1082  }
0x22: {  	[simem:s7], [sflag:s8] =	dma.local @!p0 [hbm:s6], $0xF7A  }
0x23: {  	s9 =	sor.u32 $0xD0000000, s2;
	s6 =	simm.s32 $0x108;
	_ =	swait.ge @!p0 [sflag:s8], $0x0  }
0x24: {  	s3 =	sadd.s32 $0x88, s3;
	s6 =	simm.s32 @!p1 $0x1082;
	[sflag:s4] =	ssyncset.s32 $0xFFFFF086  }
0x25: {  	[simem:s6], [sflag:s4] =	dma.local [hbm:s3], $0xF7A  }
0x26: {  	[smem:$0x3F95] =	sst s1;
	(tag) =	ssettag s2;
	_ =	strace s9  }
0x27: {  	s1 =	sld [smem:$0x3FA5]  }
0x28: {  	s2 =	sld [smem:$0x3FA6]  }
0x29: {  	s4 =	sld [smem:$0x3FA8]  }
0x2a: {  	p0 =	seq.s32 s5, $0x0;
	s5 =	sld [smem:$0x3FA9]  }
0x2b: {  	s6 =	sld [smem:$0x3FAA]  }
0x2c: {  	s7 =	sld [smem:$0x3FAB]  }
0x2d: {  	s3 =	simm.s32 $0x108;
	s8 =	sld [smem:$0x3FAC]  }
0x2e: {  	s3 =	simm.s32 @!p0 $0x1082;
	s9 =	sld [smem:$0x3FAD]  }
0x2f: {  	lr =	sadd.s32 s0, s3;
	s0 =	sld [smem:$0x3FA4]  }
0x30: {  	s3 =	sld [smem:$0x3FA7]  }
0x31: {  	[smem:$0x3FB0] =	sst s10  }
0x32: {  	s10 =	sld [smem:$0x3FAE];
	_ =	sdelay $0x3  }
0x33: {  	p0 =	seq.s32 s10, $0x1;
	s10 =	sld [smem:$0x3FB0];
	_ =	sdelay $0x3  }
0x34: {  	[smem:$0x3FB0] =	sst s10  }
0x35: {  	s10 =	sld [smem:$0x3FAF];
	_ =	sdelay $0x3  }
0x36: {  	p1 =	seq.s32 s10, $0x1;
	s10 =	sld [smem:$0x3FB0];
	_ =	sdelay $0x3  }
0x37: {  	[smem:$0x3FB0] =	sst s10  }
0x38: {  	s10 =	sld [smem:$0x3FB1]  }
0x39: {  	_ = 	snop;
	(pc) =	sbr.ind lr, $3  }
0x3a: {  	_ = 	snop  }
0x3b: {  	_ = 	snop  }
0x3c: {  	p2 =	seq.s32 s10, $0x1;
	s10 =	sld [smem:$0x3FB0]  }
0x3d: {  	_ =	shalt  }
0x3e: {  	_ =	shalt  }
0x3f: {  	_ =	shalt  }
0x40: {  	_ =	shalt  }
0x41: {  	_ =	shalt  }
0x42: {  	_ =	shalt  }
0x43: {  	_ =	shalt  }
0x44: {  	_ =	shalt  }
0x45: {  	_ =	shalt  }
0x46: {  	_ =	shalt  }
0x47: {  	_ =	shalt  }
0x48: {  	_ =	shalt  }
0x49: {  	_ =	shalt  }
0x4a: {  	_ =	shalt  }
0x4b: {  	_ =	shalt  }
0x4c: {  	_ =	shalt  }
0x4d: {  	_ =	shalt  }
0x4e: {  	_ =	shalt  }
0x4f: {  	_ =	shalt  }
0x50: {  	_ =	shalt  }
0x51: {  	_ =	shalt  }
0x52: {  	_ =	shalt  }
0x53: {  	_ =	shalt  }
0x54: {  	_ =	shalt  }
0x55: {  	_ =	shalt  }
0x56: {  	_ =	shalt  }
0x57: {  	_ =	shalt  }
0x58: {  	_ =	shalt  }
0x59: {  	_ =	shalt  }
0x5a: {  	_ =	shalt  }
0x5b: {  	_ =	shalt  }
0x5c: {  	_ =	shalt  }
0x5d: {  	_ =	shalt  }
0x5e: {  	_ =	shalt  }
0x5f: {  	_ =	shalt  }
0x60: {  	_ =	shalt  }
0x61: {  	_ =	shalt  }
0x62: {  	_ =	shalt  }
0x63: {  	_ =	shalt  }
0x64: {  	_ =	shalt  }
0x65: {  	_ =	shalt  }
0x66: {  	_ =	shalt  }
0x67: {  	_ =	shalt  }
0x68: {  	_ =	shalt  }
0x69: {  	_ =	shalt  }
0x6a: {  	_ =	shalt  }
0x6b: {  	_ =	shalt  }
0x6c: {  	_ =	shalt  }
0x6d: {  	_ =	shalt  }
0x6e: {  	_ =	shalt  }
0x6f: {  	_ =	shalt  }
0x70: {  	_ =	shalt  }
0x71: {  	_ =	shalt  }
0x72: {  	_ =	shalt  }
0x73: {  	_ =	shalt  }
0x74: {  	_ =	shalt  }
0x75: {  	_ =	shalt  }
0x76: {  	_ =	shalt  }
0x77: {  	_ =	shalt  }
0x78: {  	_ =	shalt  }
0x79: {  	_ =	shalt  }
0x7a: {  	_ =	shalt  }
0x7b: {  	_ =	shalt  }
0x7c: {  	_ =	shalt  }
0x7d: {  	_ =	shalt  }
0x7e: {  	_ =	shalt  }
0x7f: {  	_ =	shalt  }
0x80: {  	_ =	shalt  }
0x81: {  	_ =	shalt  }
0x82: {  	_ =	shalt  }
0x83: {  	_ =	shalt  }
0x84: {  	_ =	shalt  }
0x85: {  	_ =	shalt  }
0x86: {  	_ =	shalt  }
0x87: {  	_ =	shalt  }
.Lfunc_end0:
.L_simem_size_0:
called_computation_lowered:
.L_overlay_start_0:
0x88: {  	s0 =	sld [smem:$0x3FD9]  }
0x89: {  	s1 =	sld [smem:$0x3FFE];
	_ =	sdelay $0x3  }
0x8a: {  	s0 =	sadd.s32 s1, s0  }
0x8b: {  	[smem:$0x3FBC] =	sst s0  }
0x8c: {  	_ = 	snop  }
0x8d: {  	s0 =	sld [smem:$0x3FC1]  }
0x8e: {  	s16 =	sld [smem:$0x3FD0];
	(tm) =	ssettm $0x1  }
0x8f: {  	s2 =	sld [smem:$0x3FFB];
	_ =	sdelay $0x3  }
0x90: {  	_ =	strace s2  }
0x91: {  	s2 =	sld [smem:$0x3FFC];
	_ =	sdelay $0x3  }
0x92: {  	_ =	strace s2  }
0x93: {  	s2 =	sld [smem:$0x3FFD];
	_ =	sdelay $0x3  }
0x94: {  	_ =	strace s2  }
0x95: {  	_ =	strace $0x8FFFFFFF  }
0x96: {  	s17 =	sld [smem:$0x3FDB];
	_ =	sdelay $0x1  }
0x97: {  	s3 =	simm.s32 $_scs_section_size  }
0x98: {  	s4 =	simm.s32 $_size__tile_overlayer_lowered;
	s5 =	simm.s32 $_tile_overlayer_lowered  }
0x99: {  	s20 =	simm.s32 $0x1BFF;
	s19 =	sshll.u32 s5, $0x1;
	s2 =	sadd.s32 s3, s17  }
0x9a: {  	s6 =	simm.s32 $0x0;
	s18 =	sshll.u32 s4, $0x1;
	s4 =	sadd.s32 s19, s2  }
0x9b: {  	[timem:s6], [sflag:s20] =	dma.local [hbm:s4], s18  }
0x9c: {  	_ =	swait.ge [sflag:s20], s18  }
0x9d: {  	s3 =	ssub.s32 $0x0, s18;
	[sflag:s20] =	ssyncset.done $0x0  }
0x9e: {  	[sflag:s20] =	ssyncadd.s32 s3;
	_ =	sdelay $0x1  }
0x9f: {  	s21 =	simm.s32 $0x1B8B  }
0xa0: {  	_ =	swait.ge [sflag:s21], $0x1  }
0xa1: {  	[sflag:s21] =	ssyncset.done $0x0  }
0xa2: {  	s23 =	simm.s32 $0x1B8E;
	s22 =	sld [smem:$0x3FFE];
	[sflag:s21] =	ssyncadd.s32 $0xFFFFFFFF  }
0xa3: {  	s24 =	simm.s32 $execute0_lowered;
	[smem:$0x3FD2] =	sst s23  }
0xa4: {  	s4 =	sshll.u32 s24, $0x1;
	_ =	strace $0x80000046;
	[dreg:$0x1] =	wrdreg $0xFFFFFFFF  }
0xa5: {  	s25 =	simm.s32 $_size_execute0_lowered;
	s2 =	sadd.s32 s2, s4;
	[dreg:$0x0] =	wrdreg $0x0  }
0xa6: {  	s4 =	sshll.u32 s25, $0x1;
	[dreg:$0x2] =	wrdreg s2  }
0xa7: {  	[dreg:$0x3] =	wrdreg s4  }
0xa8: {  	[dreg:$0x4] =	wrdreg $0xC0  }
0xa9: {  	_ =	task [dreg:s6], $0x5FFFF  }
0xaa: {  	[dreg:$0x1] =	wrdreg $0xFFFFFFFF  }
0xab: {  	[dreg:$0x0] =	wrdreg $0x60  }
0xac: {  	[dreg:$0x2] =	wrdreg s22  }
0xad: {  	[dreg:$0x3] =	wrdreg s0  }
0xae: {  	[dreg:$0x4] =	wrdreg s16  }
0xaf: {  	[dreg:$0x5] =	wrdreg $0x11000  }
0xb0: {  	[dreg:$0x6] =	wrdreg $0x11300  }
0xb1: {  	[dreg:$0x7] =	wrdreg $0x9  }
0xb2: {  	_ =	task.clear_ibuf [dreg:s6], $0x8FFFF;
	_ =	strace $0x90000046  }
0xb3: {  	s26 =	simm.s32 $0x9;
	_ =	strace $0x80000048  }
0xb4: {  	_ =	swait.ge [sflag:s26], $0x1  }
0xb5: {  	[sflag:s26] =	ssyncadd.s32 $0xFFFFFFFF  }
0xb6: {  	_ =	strace $0x90000048  }
0xb7: {  	_ =	sfence  }
0xb8: {  	s28 =	sld [smem:$0x0];
	_ =	sdelay $0x1  }
0xb9: {  	s29 =	srdreg.scid  }
0xba: {  	s30 =	sshll.u32 s29, $0xD;
	s31 =	sshrl.u32 s29, $0x2  }
0xbb: {  	s1 =	sand.u32 $0x1, s29;
	s2 =	sand.u32 $0x4000, s30;
	s0 =	sadd.s32 s31, s28  }
0xbc: {  	s1 =	sor.u32 s2, s1;
	s0 =	sshll.u32 s0, $0x11  }
0xbd: {  	s0 =	sor.u32 s0, s1  }
0xbe: {  	s0 =	sadd.s32 $0x8F2B, s0  }
0xbf: {  	[sflag:s0] =	ssyncadd.remote.s32 $0x1  }
0xc0: {  	_ =	sfence.sel $0xFFFF  }
0xc1: {  	[dreg:$0x0] =	wrdreg $0xFFFFFFFF;
	(pc) =	sbr.abs _section_cstart, $3  }
0xc2: {  	[dreg:$0x1] =	wrdreg $0xFFFFFFFF  }
0xc3: {  	_ =	task.clear_ibuf [dreg:s6], $0x2FFFF;
	_ =	strace $0x9FFFFFFF  }
0xc4: {  	(tm) =	ssettm $0x7FFFFFFF  }
0xc5: {  	_ =	shalt  }
tec
execute0_lowered:
.L_overlay_start_1:
0x0: {  	(tag) =	ssettag $0x1  }
0x1: {  	s6 =	rddreg [dreg:$0x0]  }
0x2: {  	s3 =	rddreg [dreg:$0x1]  }
0x3: {  	s1 =	rddreg [dreg:$0x2]  }
0x4: {  	s5 =	rddreg [dreg:$0x3]  }
0x5: {  	s4 =	rddreg [dreg:$0x4];
	s2 =	stileid.u32  }
0x6: {  	s0 =	rddreg [dreg:$0x5];
	s7 =	simm.s32 $0x0;
	s8 =	sshll.u32 s2, $0x9  }
0x7: {  	[smem:$0x7FF] =	sst s7;
	s6 =	sadd.s32 s8, s6  }
0x8: {  	s25 =	simm.s32 $0x2;
	_ =	strace $0x80000047;
	s6 =	sadd.s32 $0x1A00, s6  }
0x9: {  	[tilespmem:s7], [sflag:$0x2] =	stream.linear.gather [hbm4b:s6+s7], $0x1000, $0x38;
	[tilespmem:$0x39E0] =	vst v63  }
0xa: {  	_ =	swait.ge [sflag:s25], $0x1000  }
0xb: {  	[sflag:s25] =	ssyncset.done $0x0  }
0xc: {  	s26 =	simm.s32 $0x0;
	[sflag:s25] =	ssyncadd.s32 $0xFFFFF000  }
0xd: {  	v1 =	vld [tilespmem:s26+$0x0];
	_ =	sdelay $0x2  }
0xe: {  	s28 =	sshll.u32 s2, $0xC;
	v2 =	vld [tilespmem:s26+$0x10]  }
0xf: {  	v6 =	vimm.f32 $-3.000000010e+38;
	v0 =	vlaneseq.u32;
	s29 =	sor.u32 $0x10, s28  }
0x10: {  	v7 =	vimm.s32 $0x40000000;
	v15 =	vor.u32 s29, v0;
	s6 =	sadd.s32 $0xFFFFFFF0, s29;
	vm0 =	vgt.f32 v1, v6  }
0x11: {  	s30 =	simm.s32 $0x20;
	v3 =	vor.u32 s6, v0;
	s6 =	sadd.s32 $0x20, s29;
	v9 =	vsel vm0, v6, v1;
	v10 =	vsel vm0, v1, v6  }
0x12: {  	s31 =	sadd.s32 $0xFFFFFFF0, s6;
	v13 =	vld [tilespmem:s30+$0x0];
	v12 =	vsel vm0, v7, v3;
	v11 =	vsel vm0, v3, v7;
	vm1 =	vgt.f32 v9, v6  }
0x13: {  	v3 =	vor.u32 s31, v0;
	vm2 =	vgt.f32 v2, v10;
	v8 =	vsel vm1, v6, v9  }
0x14: {  	v5 =	vld [tilespmem:s30+$0x10];
	v14 =	vsel vm2, v2, v10;
	v1 =	vsel vm1, v7, v12;
	v16 =	vsel vm1, v9, v6  }
0x15: {  	v17 =	vsel vm2, v10, v2;
	v12 =	vsel vm1, v12, v7;
	vm3 =	vgt.f32 v8, v6  }
0x16: {  	v4 =	vsel vm3, v1, v7;
	v1 =	vsel vm2, v15, v11;
	v8 =	vsel vm3, v8, v6  }
0x17: {  	v11 =	vsel vm2, v11, v15;
	vm2 =	vgt.f32 v13, v14;
	vm3 =	vgt.f32 v17, v16  }
0x18: {  	v6 =	vsel vm2, v13, v14;
	v9 =	vsel vm2, v14, v13;
	v2 =	vsel vm2, v1, v3  }
0x19: {  	v10 =	vsel vm3, v17, v16;
	v13 =	vsel vm3, v12, v11;
	vm0 =	vgt.f32 v5, v6  }
0x1a: {  	s7 =	simm.s32 $0x100;
	v14 =	vsel vm3, v16, v17;
	vm1 =	vgt.f32 v9, v10;
	v7 =	vsel vm0, v5, v6  }
.LBB2_1:
0x1b: {  	s8 =	sshra.s32 s7, $0x2;
	p0 =	sne.s32 s7, $0x3F80;
	s7 =	sadd.s32 $0x80, s7;
	v15 =	vsel vm1, v10, v9;
	v12 =	vsel vm3, v11, v12;
	vm3 =	vgt.f32 v14, v8  }
0x1c: {  	v16 =	vld [tilespmem:s8+$0x0];
	v11 =	vsel vm1, v12, v2;
	v8 =	vsel vm3, v14, v8;
	v4 =	vsel vm3, v13, v4  }
0x1d: {  	v13 =	vsel vm2, v3, v1;
	v14 =	vor.u32 s6, v0;
	s6 =	sadd.s32 $0x20, s6;
	vm2 =	vgt.f32 v15, v8  }
0x1e: {  	s9 =	sadd.s32 $0xFFFFFFF0, s6;
	v1 =	vsel vm0, v14, v13;
	v17 =	vld [tilespmem:s8+$0x10];
	v4 =	vsel vm2, v11, v4  }
0x1f: {  	v3 =	vor.u32 s9, v0;
	v8 =	vsel vm2, v15, v8  }
.Ltmp0:
0x20: {  	v18 =	vsel vm0, v6, v5;
	v15 =	vsel vm1, v9, v10;
	v11 =	vsel vm0, v13, v14;
	(pc) =	sbr.rel @p0 .LBB2_1-.Ltmp0, $4  }
0x21: {  	v12 =	vsel vm1, v2, v12;
	vm3 =	vgt.f32 v18, v15;
	vm2 =	vgt.f32 v16, v7  }
0x22: {  	v6 =	vsel vm2, v16, v7;
	v9 =	vsel vm2, v7, v16;
	v2 =	vsel vm2, v1, v3  }
0x23: {  	v10 =	vsel vm3, v18, v15;
	v13 =	vsel vm3, v12, v11;
	vm0 =	vgt.f32 v17, v6;
	v5 =	vmovc v17  }
0x24: {  	v14 =	vsel vm3, v15, v18;
	vm1 =	vgt.f32 v9, v10;
	v7 =	vsel vm0, v5, v6  }
0x25: {  	vm4 =	vgt.f32 v14, v8;
	v63 =	vsel vm1, v10, v9  }
0x26: {  	v9 =	vsel vm1, v9, v10;
	v5 =	vsel vm0, v6, v5;
	v6 =	vsel vm3, v11, v12  }
0x27: {  	v1 =	vsel vm2, v3, v1;
	v0 =	vor.u32 s6, v0;
	v8 =	vsel vm4, v14, v8  }
0x28: {  	vm5 =	vgt.f32 v5, v9;
	v10 =	vsel vm1, v6, v2;
	vm3 =	vgt.f32 v63, v8  }
0x29: {  	[tilespmem:$0x1000] =	vst v7;
	v11 =	vsel vm5, v9, v5;
	v5 =	vsel vm5, v5, v9;
	v8 =	vsel vm3, v63, v8  }
0x2a: {  	v4 =	vsel vm4, v13, v4;
	[tilespmem:$0x1010] =	vst v5;
	v5 =	vsel vm0, v0, v1;
	vm4 =	vgt.f32 v11, v8  }
0x2b: {  	v0 =	vsel vm0, v1, v0;
	v1 =	vsel vm1, v2, v6;
	[tilespmem:$0x1080] =	vst v5;
	v3 =	vsel vm4, v11, v8  }
0x2c: {  	s24 =	smul.u32 $0x30, s2;
	v2 =	vsel vm3, v10, v4;
	[tilespmem:$0x1020] =	vst v3;
	v3 =	vsel vm5, v1, v0;
	v0 =	vsel vm5, v0, v1  }
0x2d: {  	v1 =	vsel vm4, v3, v2;
	[tilespmem:$0x1090] =	vst v0  }
0x2e: {  	s8 =	simm.s32 $0x1000;
	s25 =	simm.s32 $0x2;
	s7 =	sadd.s32 s24, s5;
	[tilespmem:$0x10A0] =	vst v1  }
0x2f: {  	[spmem:s7] =	stream.linear.scatter [tilespmem:s8], [sflag:$0x2], $0x30, $0x38;
	[tilespmem:$0x39E0] =	vst v63  }
0x30: {  	_ =	swait.ge [sflag:s25], $0x30  }
0x31: {  	[sflag:s25] =	ssyncset.done $0x0  }
0x32: {  	s26 =	simm.s32 $0x1080;
	s6 =	sadd.s32 s24, s4;
	[sflag:s25] =	ssyncadd.s32 $0xFFFFFFD0  }
0x33: {  	[spmem:s6] =	stream.linear.scatter [tilespmem:s26], [sflag:$0x2], $0x30, $0x38;
	[tilespmem:$0x39E0] =	vst v63  }
0x34: {  	_ =	swait.ge [sflag:s25], $0x30  }
0x35: {  	[sflag:s25] =	ssyncset.done $0x0  }
0x36: {  	[sflag:s25] =	ssyncadd.s32 $0xFFFFFFD0  }
0x37: {  	s28 =	simm.s32 $0x1160;
	[bflag:$0x0] =	sbarrier.arrive $0xFFFF  }
0x38: {  	[tilespmem:s28], [sflag:$0x2] =	stream.linear.gather [spmem:s5], $0x300, $0x38;
	[tilespmem:$0x39E0] =	vst v63  }
0x39: {  	_ =	swait.ge [sflag:s25], $0x300  }
0x3a: {  	[sflag:s25] =	ssyncset.done $0x0  }
0x3b: {  	s29 =	simm.s32 $0x1460;
	[sflag:s25] =	ssyncadd.s32 $0xFFFFFD00  }
0x3c: {  	[tilespmem:s29], [sflag:$0x2] =	stream.linear.gather [spmem:s4], $0x300, $0x38;
	[tilespmem:$0x39E0] =	vst v63  }
0x3d: {  	_ =	swait.ge [sflag:s25], $0x300  }
0x3e: {  	[sflag:s25] =	ssyncset.done $0x0  }
0x3f: {  	s30 =	simm.s32 $0x0;
	[sflag:s25] =	ssyncadd.s32 $0xFFFFFD00  }
0x40: {  	v1 =	vld [tilespmem:s30+$0x1160]  }
0x41: {  	v3 =	vld [tilespmem:s30+$0x1460];
	_ =	sdelay $0x3  }
0x42: {  	s31 =	simm.s32 $0x10;
	v0 =	vimm.f32 $-3.000000010e+38;
	v2 =	vimm.s32 $0x40000000  }
0x43: {  	v6 =	vld [tilespmem:s31+$0x1160];
	vm0 =	veq.f32 v1, v0;
	vm1 =	vlt.s32 v3, v2  }
0x44: {  	v7 =	vld [tilespmem:s31+$0x1460];
	vm2 =	vgt.f32 v1, v0;
	vm0 =	vmand vm0, vm1  }
0x45: {  	vm0 =	vmor vm2, vm0  }
0x46: {  	v8 =	vsel vm0, v0, v1;
	v10 =	vsel vm0, v2, v3;
	v5 =	vsel vm0, v3, v2  }
0x47: {  	v4 =	vsel vm0, v1, v0;
	vm1 =	veq.f32 v8, v0;
	vm2 =	vlt.s32 v10, v2  }
0x48: {  	vm3 =	vgt.f32 v8, v0;
	vm1 =	vmand vm1, vm2;
	vm2 =	veq.f32 v6, v4  }
0x49: {  	vm0 =	vmor vm3, vm1;
	vm3 =	vlt.s32 v7, v5;
	vm1 =	vgt.f32 v6, v4  }
0x4a: {  	v3 =	vsel vm0, v8, v0;
	v8 =	vsel vm0, v0, v8;
	v9 =	vsel vm0, v2, v10  }
0x4b: {  	v1 =	vsel vm0, v10, v2;
	vm4 =	veq.f32 v8, v0;
	vm5 =	vlt.s32 v9, v2  }
0x4c: {  	s4 =	simm.s32 $0x80;
	vm3 =	vmand vm2, vm3;
	vm0 =	vgt.f32 v8, v0;
	vm2 =	vmand vm4, vm5  }
.LBB2_3:
0x4d: {  	s5 =	sshra.s32 s4, $0x2;
	p0 =	sne.s32 s4, $0xBC0;
	s4 =	sadd.s32 $0x40, s4;
	vm1 =	vmor vm1, vm3;
	vm0 =	vmor vm0, vm2  }
0x4e: {  	v10 =	vld [tilespmem:s5+$0x1160];
	v11 =	vsel vm1, v4, v6;
	v12 =	vsel vm1, v5, v7;
	v2 =	vsel vm0, v9, v2  }
0x4f: {  	v0 =	vsel vm0, v8, v0;
	v13 =	vld [tilespmem:s5+$0x1460];
	vm2 =	veq.f32 v11, v3;
	vm3 =	vlt.s32 v12, v1  }
0x50: {  	v5 =	vsel vm1, v7, v5;
	vm0 =	vgt.f32 v11, v3;
	vm2 =	vmand vm2, vm3  }
.Ltmp1:
0x51: {  	v4 =	vsel vm1, v6, v4;
	vm0 =	vmor vm0, vm2;
	(pc) =	sbr.rel @p0 .LBB2_3-.Ltmp1, $4  }
0x52: {  	v8 =	vsel vm0, v3, v11;
	v3 =	vsel vm0, v11, v3;
	v9 =	vsel vm0, v1, v12  }
0x53: {  	v1 =	vsel vm0, v12, v1;
	vm2 =	veq.f32 v10, v4;
	vm4 =	veq.f32 v8, v0;
	v6 =	vmovc v10  }
0x54: {  	vm0 =	vgt.f32 v8, v0;
	vm5 =	vlt.s32 v9, v2;
	vm3 =	vlt.s32 v13, v5;
	v7 =	vmovc v13  }
0x55: {  	vm1 =	vgt.f32 v6, v4;
	vm3 =	vmand vm2, vm3;
	vm2 =	vmand vm4, vm5  }
0x56: {  	v10 =	vimm.s32 $0xEFCDAB89  }
0x57: {  	v11 =	vimm.s32 $0x67452301;
	vm1 =	vmor vm1, vm3;
	vm0 =	vmor vm0, vm2  }
0x58: {  	v27 =	vimm.s32 $0xDCFE98BA;
	v28 =	vimm.s32 $0x54761032;
	v47 =	vimm.s32 $0xBA98FEDC  }
0x59: {  	v48 =	vimm.s32 $0x32107654;
	v10 =	vunpack.c.l.s4.s8 v10;
	v11 =	vunpack.c.l.s4.s8 v11  }
0x5a: {  	v12 =	vsel vm1, v4, v6;
	v13 =	vsel vm1, v5, v7;
	v2 =	vsel vm0, v9, v2  }
0x5b: {  	v0 =	vsel vm0, v8, v0;
	v54 =	vsel vm1, v7, v5;
	v9 =	vunpack.c.l.s4.s8 v27  }
0x5c: {  	vm9 =	veq.f32 v12, v3;
	vm10 =	vlt.s32 v13, v1;
	vm11 =	vgt.f32 v12, v3  }
0x5d: {  	v51 =	vunpack.c.0.s8.s32 v10;
	v52 =	vunpack.c.0.s8.s32 v11;
	vm2 =	vmand vm9, vm10  }
0x5e: {  	v55 =	vsel vm1, v6, v4;
	v10 =	vunpack.c.l.s4.s8 v28;
	vm0 =	vmor vm11, vm2  }
0x5f: {  	v9 =	vunpack.c.0.s8.s32 v9;
	v53 =	vcombine.low v52, v51;
	v56 =	vsel vm0, v12, v3  }
0x60: {  	v57 =	vsel vm0, v3, v12;
	v59 =	vsel vm0, v1, v13;
	v10 =	vunpack.c.0.s8.s32 v10  }
0x61: {  	v62 =	vsel vm0, v13, v1;
	vm12 =	veq.f32 v57, v0;
	vm13 =	vgt.f32 v57, v0  }
0x62: {  	vm14 =	vlt.s32 v59, v2;
	v58 =	vand.u32 $0xF, v53;
	v29 =	vcombine.low v10, v9  }
0x63: {  	vm1 =	vmand vm12, vm14;
	v60 =	vperm.xlane v55, v58;
	v61 =	vperm.xlane v54, v58  }
0x64: {  	v9 =	vunpack.c.l.s4.s8 v48;
	vm1 =	vmor vm13, vm1;
	v17 =	vperm.xlane v56, v58  }
0x65: {  	v13 =	vperm.xlane v62, v58;
	vm15 =	veq.f32 v60, v55;
	vm4 =	vlt.s32 v61, v54  }
0x66: {  	v0 =	vsel vm1, v57, v0;
	vm6 =	vgt.f32 v60, v55;
	vm3 =	vmand vm15, vm4  }
0x67: {  	v2 =	vsel vm1, v59, v2;
	v18 =	vperm.xlane v0, v58;
	vm7 =	vmor vm6, vm3  }
0x68: {  	v7 =	vperm.xlane v2, v58;
	v63 =	vsel vm7, v55, v60;
	v16 =	vsel vm7, v54, v61  }
0x69: {  	v4 =	vsel vm7, v60, v55;
	vm8 =	veq.f32 v63, v56;
	vm9 =	vlt.s32 v16, v62  }
0x6a: {  	v5 =	vsel vm7, v61, v54;
	vm10 =	vgt.f32 v63, v56;
	vm1 =	vmand vm8, vm9  }
0x6b: {  	vm12 =	veq.f32 v17, v4;
	vm13 =	vlt.s32 v13, v5;
	vm1 =	vmor vm10, vm1  }
0x6c: {  	vm15 =	vgt.f32 v17, v4;
	v19 =	vsel vm1, v63, v56;
	v20 =	vsel vm1, v16, v62  }
0x6d: {  	v3 =	vsel vm1, v56, v63;
	v1 =	vsel vm1, v62, v16;
	vm1 =	vmand vm12, vm13  }
0x6e: {  	vm11 =	veq.f32 v3, v0;
	vm14 =	vlt.s32 v1, v2;
	vm1 =	vmor vm15, vm1  }
0x6f: {  	vm7 =	vgt.f32 v3, v0;
	vm0 =	vmand vm11, vm14;
	v21 =	vsel vm1, v4, v17  }
0x70: {  	v22 =	vsel vm1, v5, v13;
	v23 =	vsel vm1, v17, v4;
	v24 =	vsel vm1, v13, v5  }
0x71: {  	vm0 =	vmor vm7, vm0;
	vm8 =	veq.f32 v21, v19;
	vm9 =	vlt.s32 v22, v20  }
0x72: {  	vm10 =	vgt.f32 v21, v19;
	vm14 =	veq.f32 v18, v23;
	vm15 =	vlt.s32 v7, v24  }
0x73: {  	vm7 =	vgt.f32 v18, v23;
	v0 =	vsel vm0, v3, v0;
	vm2 =	vmand vm8, vm9  }
0x74: {  	v1 =	vsel vm0, v1, v2;
	vm3 =	vmand vm14, vm15;
	vm0 =	vmor vm10, vm2  }
0x75: {  	v9 =	vunpack.c.0.s8.s32 v9;
	vm2 =	vmor vm7, vm3;
	v25 =	vsel vm0, v21, v19  }
0x76: {  	v26 =	vsel vm0, v22, v20;
	v6 =	vsel vm0, v19, v21;
	v8 =	vsel vm0, v20, v22  }
0x77: {  	v11 =	vsel vm2, v23, v18;
	v13 =	vsel vm2, v24, v7;
	v2 =	vsel vm2, v18, v23  }
0x78: {  	v3 =	vsel vm2, v7, v24;
	v19 =	vimm.s32 $0xFEDCBA98;
	v20 =	vimm.s32 $0x76543210  }
0x79: {  	vm11 =	vgt.f32 v6, v0;
	vm12 =	veq.f32 v6, v0;
	vm13 =	vlt.s32 v8, v1  }
0x7a: {  	vm8 =	veq.f32 v11, v25;
	vm9 =	vlt.s32 v13, v26;
	vm1 =	vmand vm12, vm13  }
0x7b: {  	vm10 =	vgt.f32 v11, v25;
	vm0 =	vmor vm11, vm1;
	vm1 =	vmand vm8, vm9  }
0x7c: {  	v0 =	vsel vm0, v6, v0;
	v1 =	vsel vm0, v8, v1;
	vm11 =	vmor vm10, vm1  }
0x7d: {  	v6 =	vand.u32 $0xF, v29;
	v8 =	vunpack.c.l.s4.s8 v47;
	v30 =	vsel vm11, v11, v25  }
0x7e: {  	v31 =	vsel vm11, v13, v26;
	v4 =	vsel vm11, v25, v11;
	v5 =	vsel vm11, v26, v13  }
0x7f: {  	v32 =	vperm.xlane v2, v6;
	v33 =	vperm.xlane v3, v6;
	vm12 =	vgt.f32 v4, v0  }
0x80: {  	vm13 =	veq.f32 v4, v0;
	vm14 =	vlt.s32 v5, v1;
	v34 =	vperm.xlane v30, v6  }
0x81: {  	v38 =	vperm.xlane v31, v6;
	v8 =	vunpack.c.0.s8.s32 v8;
	vm1 =	vmand vm13, vm14  }
0x82: {  	vm15 =	veq.f32 v32, v2;
	vm6 =	vlt.s32 v33, v3;
	vm7 =	vgt.f32 v32, v2  }
0x83: {  	vm0 =	vmor vm12, vm1;
	vm2 =	vmand vm15, vm6;
	v50 =	vcombine.low v9, v8  }
0x84: {  	v8 =	vunpack.c.l.s4.s8 v19;
	v9 =	vunpack.c.l.s4.s8 v20;
	vm8 =	vmor vm7, vm2  }
0x85: {  	v0 =	vsel vm0, v4, v0;
	v1 =	vsel vm0, v5, v1;
	v35 =	vsel vm8, v2, v32  }
0x86: {  	v36 =	vsel vm8, v3, v33;
	v37 =	vperm.xlane v0, v6;
	v6 =	vperm.xlane v1, v6  }
0x87: {  	v2 =	vsel vm8, v32, v2;
	v3 =	vsel vm8, v33, v3;
	v4 =	vand.u32 $0xF, v50  }
0x88: {  	v8 =	vunpack.c.0.s8.s32 v8;
	v9 =	vunpack.c.0.s8.s32 v9;
	vm9 =	veq.f32 v35, v30  }
0x89: {  	vm10 =	vlt.s32 v36, v31;
	vm11 =	vgt.f32 v35, v30;
	vm12 =	veq.f32 v34, v2  }
0x8a: {  	vm13 =	vlt.s32 v38, v3;
	vm14 =	vgt.f32 v34, v2;
	vm1 =	vmand vm9, vm10  }
0x8b: {  	vm0 =	vmand vm12, vm13;
	v23 =	vand.u32 $0xF, v8;
	vm1 =	vmor vm11, vm1  }
0x8c: {  	vm0 =	vmor vm14, vm0;
	v39 =	vsel vm1, v35, v30;
	v40 =	vsel vm1, v36, v31  }
0x8d: {  	v5 =	vsel vm1, v30, v35;
	v41 =	vsel vm1, v31, v36;
	v42 =	vsel vm0, v2, v34  }
0x8e: {  	v43 =	vsel vm0, v3, v38;
	v2 =	vsel vm0, v34, v2;
	v3 =	vsel vm0, v38, v3  }
0x8f: {  	vm15 =	vgt.f32 v5, v0;
	vm8 =	veq.f32 v5, v0;
	vm9 =	vlt.s32 v41, v1  }
0x90: {  	vm10 =	veq.f32 v42, v39;
	vm11 =	vlt.s32 v43, v40;
	vm12 =	vgt.f32 v42, v39  }
0x91: {  	vm1 =	vmand vm8, vm9;
	vm3 =	vmand vm10, vm11;
	vm8 =	veq.f32 v37, v2  }
0x92: {  	vm9 =	vlt.s32 v6, v3;
	vm11 =	vgt.f32 v37, v2;
	vm1 =	vmor vm15, vm1  }
0x93: {  	vm13 =	vmor vm12, vm3;
	vm3 =	vmand vm8, vm9;
	v0 =	vsel vm1, v5, v0  }
0x94: {  	v1 =	vsel vm1, v41, v1;
	v44 =	vsel vm13, v39, v42;
	v45 =	vsel vm13, v42, v39  }
0x95: {  	v46 =	vsel vm13, v40, v43;
	vm3 =	vmor vm11, vm3;
	v10 =	vsel vm13, v43, v40  }
0x96: {  	vm14 =	veq.f32 v44, v0;
	vm15 =	vlt.s32 v46, v1;
	vm10 =	vgt.f32 v44, v0  }
0x97: {  	v49 =	vsel vm3, v2, v37;
	v13 =	vsel vm3, v3, v6;
	v2 =	vsel vm3, v37, v2  }
0x98: {  	v3 =	vsel vm3, v6, v3;
	vm0 =	vmand vm14, vm15;
	vm12 =	veq.f32 v49, v45  }
0x99: {  	vm13 =	vlt.s32 v13, v10;
	vm14 =	vgt.f32 v49, v45;
	v53 =	vperm.xlane v2, v4  }
0x9a: {  	v54 =	vperm.xlane v3, v4;
	vm0 =	vmor vm10, vm0;
	vm1 =	vmand vm12, vm13  }
0x9b: {  	v0 =	vsel vm0, v44, v0;
	v1 =	vsel vm0, v46, v1;
	vm15 =	vmor vm14, vm1  }
0x9c: {  	vm8 =	veq.f32 v53, v2;
	vm3 =	vlt.s32 v54, v3;
	vm10 =	vgt.f32 v53, v2  }
0x9d: {  	v51 =	vsel vm15, v45, v49;
	v52 =	vsel vm15, v10, v13;
	v5 =	vsel vm15, v49, v45  }
0x9e: {  	vm2 =	vmand vm8, vm3;
	v10 =	vsel vm15, v13, v10;
	vm6 =	veq.f32 v51, v0  }
0x9f: {  	vm7 =	vlt.s32 v52, v1;
	vm9 =	vgt.f32 v51, v0;
	vm12 =	vmor vm10, vm2  }
0xa0: {  	v57 =	vperm.xlane v5, v4;
	v58 =	vperm.xlane v10, v4;
	vm1 =	vmand vm6, vm7  }
0xa1: {  	v55 =	vsel vm12, v2, v53;
	v56 =	vsel vm12, v3, v54;
	v2 =	vsel vm12, v53, v2  }
0xa2: {  	v3 =	vsel vm12, v54, v3;
	vm11 =	vmor vm9, vm1;
	vm13 =	veq.f32 v55, v5  }
0xa3: {  	vm14 =	vlt.s32 v56, v10;
	vm15 =	vgt.f32 v55, v5;
	vm5 =	veq.f32 v57, v2  }
0xa4: {  	vm6 =	vlt.s32 v58, v3;
	vm7 =	vgt.f32 v57, v2;
	vm0 =	vmand vm13, vm14  }
0xa5: {  	v0 =	vsel vm11, v51, v0;
	v1 =	vsel vm11, v52, v1;
	vm0 =	vmor vm15, vm0  }
0xa6: {  	vm1 =	vmand vm5, vm6;
	v59 =	vsel vm0, v55, v5;
	v60 =	vsel vm0, v56, v10  }
0xa7: {  	v5 =	vsel vm0, v5, v55;
	v61 =	vsel vm0, v10, v56;
	vm0 =	vmor vm7, vm1  }
0xa8: {  	vm8 =	vgt.f32 v5, v0;
	vm9 =	veq.f32 v5, v0;
	vm10 =	vlt.s32 v61, v1  }
0xa9: {  	v62 =	vsel vm0, v2, v57;
	v63 =	vsel vm0, v3, v58;
	v2 =	vsel vm0, v57, v2  }
0xaa: {  	vm1 =	vmand vm9, vm10;
	vm11 =	veq.f32 v62, v59;
	vm12 =	vlt.s32 v63, v60  }
0xab: {  	vm13 =	vgt.f32 v62, v59;
	vm1 =	vmor vm8, vm1;
	vm3 =	vmand vm11, vm12  }
0xac: {  	v3 =	vsel vm0, v58, v3;
	v5 =	vsel vm1, v5, v0;
	vm2 =	vmor vm13, vm3  }
0xad: {  	v6 =	vsel vm1, v61, v1;
	v0 =	vperm.xlane v0, v4;
	v1 =	vperm.xlane v1, v4  }
0xae: {  	v16 =	vsel vm2, v59, v62;
	v14 =	vsel vm2, v60, v63;
	v17 =	vsel vm2, v62, v59  }
0xaf: {  	vm14 =	veq.f32 v16, v5;
	vm15 =	vlt.s32 v14, v6;
	vm8 =	vgt.f32 v16, v5  }
0xb0: {  	vm10 =	veq.f32 v0, v2;
	vm11 =	vlt.s32 v1, v3;
	vm1 =	vmand vm14, vm15  }
0xb1: {  	vm12 =	vgt.f32 v0, v2;
	vm0 =	vmand vm10, vm11;
	vm9 =	vmor vm8, vm1  }
0xb2: {  	v18 =	vsel vm2, v63, v60;
	vm0 =	vmor vm12, vm0;
	v5 =	vsel vm9, v16, v5  }
0xb3: {  	v21 =	vsel vm0, v2, v0;
	v22 =	vsel vm0, v3, v1;
	v0 =	vsel vm0, v0, v2  }
0xb4: {  	v2 =	vcombine.low v23, v9;
	vm13 =	veq.f32 v21, v17;
	vm14 =	vlt.s32 v22, v18  }
0xb5: {  	v6 =	vsel vm9, v14, v6;
	vm15 =	vgt.f32 v21, v17;
	vm1 =	vmand vm13, vm14  }
0xb6: {  	v1 =	vsel vm0, v1, v3;
	v9 =	vperm.xlane v0, v2;
	vm1 =	vmor vm15, vm1  }
0xb7: {  	v26 =	vperm.xlane v1, v2;
	v24 =	vsel vm1, v17, v21;
	v4 =	vsel vm1, v21, v17  }
0xb8: {  	v25 =	vsel vm1, v18, v22;
	v7 =	vsel vm1, v22, v18;
	vm9 =	veq.f32 v9, v0  }
0xb9: {  	vm10 =	vlt.s32 v26, v1;
	vm11 =	vgt.f32 v9, v0;
	vm6 =	veq.f32 v24, v5  }
0xba: {  	vm7 =	vlt.s32 v25, v6;
	vm8 =	vgt.f32 v24, v5;
	vm1 =	vmand vm9, vm10  }
0xbb: {  	v28 =	vperm.xlane v4, v2;
	vm0 =	vmand vm6, vm7;
	vm12 =	vmor vm11, vm1  }
0xbc: {  	v32 =	vperm.xlane v7, v2;
	vm0 =	vmor vm8, vm0;
	v30 =	vsel vm12, v0, v9  }
0xbd: {  	v31 =	vsel vm12, v1, v26;
	v0 =	vsel vm12, v9, v0;
	v1 =	vsel vm12, v26, v1  }
0xbe: {  	v3 =	vsel vm0, v24, v5;
	v27 =	vsel vm0, v25, v6;
	vm13 =	veq.f32 v30, v4  }
0xbf: {  	vm14 =	vlt.s32 v31, v7;
	vm15 =	vgt.f32 v30, v4;
	vm7 =	veq.f32 v28, v0  }
0xc0: {  	vm8 =	vlt.s32 v32, v1;
	vm10 =	vgt.f32 v28, v0;
	vm1 =	vmand vm13, vm14  }
0xc1: {  	v29 =	vperm.xlane v3, v2;
	vm0 =	vmand vm7, vm8;
	vm6 =	vmor vm15, vm1  }
0xc2: {  	v2 =	vperm.xlane v27, v2;
	vm0 =	vmor vm10, vm0;
	v33 =	vsel vm6, v30, v4  }
0xc3: {  	v34 =	vsel vm6, v31, v7;
	v4 =	vsel vm6, v4, v30;
	v7 =	vsel vm6, v7, v31  }
0xc4: {  	v35 =	vsel vm0, v0, v28;
	v36 =	vsel vm0, v1, v32;
	v0 =	vsel vm0, v28, v0  }
0xc5: {  	v1 =	vsel vm0, v32, v1;
	vm9 =	vgt.f32 v4, v3;
	vm11 =	veq.f32 v4, v3  }
0xc6: {  	vm12 =	vlt.s32 v7, v27;
	vm13 =	veq.f32 v35, v33;
	vm14 =	vlt.s32 v36, v34  }
0xc7: {  	vm15 =	vgt.f32 v35, v33;
	vm8 =	veq.f32 v29, v0;
	vm1 =	vmand vm11, vm12  }
0xc8: {  	vm10 =	vgt.f32 v29, v0;
	vm2 =	vmand vm13, vm14;
	vm1 =	vmor vm9, vm1  }
0xc9: {  	vm7 =	vmor vm15, vm2;
	vm9 =	vlt.s32 v2, v1;
	v3 =	vsel vm1, v4, v3  }
0xca: {  	v37 =	vsel vm1, v7, v27;
	v38 =	vsel vm7, v35, v33;
	v39 =	vsel vm7, v36, v34  }
0xcb: {  	v40 =	vsel vm7, v33, v35;
	v41 =	vsel vm7, v34, v36;
	vm0 =	vmand vm8, vm9  }
0xcc: {  	vm11 =	vgt.f32 v40, v3;
	vm12 =	veq.f32 v40, v3;
	vm0 =	vmor vm10, vm0  }
0xcd: {  	vm13 =	vlt.s32 v41, v37;
	v42 =	vsel vm0, v0, v29;
	v43 =	vsel vm0, v1, v2  }
0xce: {  	vm1 =	vmand vm12, vm13;
	vm14 =	veq.f32 v42, v38;
	vm15 =	vlt.s32 v43, v39  }
0xcf: {  	vm1 =	vmor vm11, vm1;
	vm8 =	vgt.f32 v42, v38;
	vm7 =	vmand vm14, vm15  }
0xd0: {  	v3 =	vsel vm1, v40, v3;
	vm2 =	vmor vm8, vm7  }
0xd1: {  	v4 =	vsel vm1, v41, v37;
	v44 =	vsel vm2, v38, v42;
	v45 =	vsel vm2, v39, v43  }
0xd2: {  	v0 =	vsel vm0, v29, v0;
	vm9 =	veq.f32 v44, v3;
	vm10 =	vlt.s32 v45, v4  }
0xd3: {  	v5 =	vsel vm2, v42, v38;
	vm11 =	vgt.f32 v44, v3;
	vm1 =	vmand vm9, vm10  }
0xd4: {  	v5 =	vsub.f32 v5, v0;
	vm1 =	vmor vm11, vm1  }
0xd5: {  	v3 =	vsel vm1, v44, v3  }
0xd6: {  	v5 =	vmul.f32 $1.442695020e+00, v5;
	v0 =	vsub.f32 v3, v0;
	_ =	sdelay $0x1  }
0xd7: {  	(erf) = vpow2.f32 v5;
	v0 =	vmul.f32 $1.442695020e+00, v0;
	_ =	sdelay $0x1  }
0xd8: {  	(erf) = vpow2.f32 v0  }
0xd9: {  	vm12 =	vcmask $0x3F0C;
	v46 =	vsel vm1, v45, v4  }
0xda: {  	vm13 =	vcmask $0x3F08;
	v47 =	vsel vm2, v43, v39;
	v3 =	vsel vm12, $0x0, v46  }
0xdb: {  	v1 =	vsel vm0, v2, v1;
	vm14 =	vmmov $0x1;
	v0 =	vsel vm13, v3, v47  }
0xdc: {  	v0 =	vsel vm14, v1, v0  }
0xdd: {  	v1 =	vshll.u32 v0, $0x2  }
0xde: {  	v49 =	vlaneseq.u32;
	v48 =	vand.u32 $0x7, v0;
	v1 =	vand.u32 $0xFFFFFFE0, v1  }
0xdf: {  	v50 =	vand.u32 $0x7, v49;
	v51 =	vshrl.u32 v49, $0x3;
	v1 =	vor.u32 v48, v1;
	v5 =	vpop (erf)  }
0xe0: {  	v4 =	vmul.u32 $0x8, v51;
	v2 =	vperm.xlane v1, v50;
	v52 =	vadd.f32 $1.000000000e+00, v5  }
0xe1: {  	v53 =	vpop (erf)  }
0xe2: {  	v2 =	vadd.s32 v4, v2;
	v6 =	vadd.f32 v53, v52  }
0xe3: {  	v3 =	vor.u32 $0x8, v49  }
0xe4: {  	v1 =	vperm.xlane v1, v3;
	(erf) = vrcp.f32 v6;
	_ =	sdelay $0x1  }
0xe5: {  	s4 =	simm.s32 $0x0;
	s5 =	simm.s32 $0x17E0;
	vm15 =	vmmov $0xffff;
	[tilespmem:$0x1760] =	vst v0;
	v57 =	vadd.s32 v4, v1  }
0xe6: {  	[tilespmem:s5], [sflag:$0x1] =	stream.indirect_vreg.gather [hbm4b:s3+s4], $0x80, v2, vm15, $0xb8;
	[tilespmem:$0x39E0] =	vst v63  }
0xe7: {  	s28 =	sadd.s32 $0x100, s3;
	s6 =	simm.s32 $0x1FE0  }
0xe8: {  	[tilespmem:s6], [sflag:$0x1] =	stream.indirect_vreg.gather [hbm4b:s28+s4], $0x80, v2, vm15, $0xb8;
	[tilespmem:$0x39E0] =	vst v63  }
0xe9: {  	s29 =	simm.s32 $0x27E0  }
0xea: {  	[tilespmem:s29], [sflag:$0x1] =	stream.indirect_vreg.gather [hbm4b:s3+s4], $0x80, v57, vm15, $0xb8;
	[tilespmem:$0x39E0] =	vst v63  }
0xeb: {  	s30 =	simm.s32 $0x2FE0;
	s31 =	simm.s32 $0x1  }
0xec: {  	[tilespmem:s30], [sflag:$0x1] =	stream.indirect_vreg.gather [hbm4b:s28+s4], $0x80, v57, vm15, $0xb8;
	v0 =	vpop (erf);
	[tilespmem:$0x39E0] =	vst v63  }
0xed: {  	_ =	swait.ge [sflag:s31], $0x2000  }
0xee: {  	[sflag:s31] =	ssyncset.done $0x0  }
0xef: {  	[sflag:s31] =	ssyncadd.s32 $0xFFFFE000  }
0xf0: {  	v58 =	vld [tilespmem:$0x17E0]  }
0xf1: {  	v59 =	vld [tilespmem:$0x1860]  }
0xf2: {  	v60 =	vld [tilespmem:$0x18E0]  }
0xf3: {  	v61 =	vld [tilespmem:$0x17F0]  }
0xf4: {  	v62 =	vld [tilespmem:$0x1870]  }
0xf5: {  	v63 =	vld [tilespmem:$0x18F0]  }
0xf6: {  	v54 =	vld [tilespmem:$0x1800]  }
0xf7: {  	v55 =	vld [tilespmem:$0x1880]  }
0xf8: {  	v56 =	vld [tilespmem:$0x1900]  }
0xf9: {  	v57 =	vld [tilespmem:$0x1810]  }
0xfa: {  	v15 =	vld [tilespmem:$0x1890]  }
0xfb: {  	v16 =	vld [tilespmem:$0x1910]  }
0xfc: {  	v17 =	vld [tilespmem:$0x1820]  }
0xfd: {  	v18 =	vld [tilespmem:$0x18A0]  }
0xfe: {  	v19 =	vld [tilespmem:$0x1920]  }
0xff: {  	v20 =	vld [tilespmem:$0x1830]  }
0x100: {  	v21 =	vld [tilespmem:$0x18B0]  }
0x101: {  	v22 =	vld [tilespmem:$0x1930]  }
0x102: {  	v23 =	vld [tilespmem:$0x1840]  }
0x103: {  	v24 =	vld [tilespmem:$0x18C0]  }
0x104: {  	v25 =	vld [tilespmem:$0x1940]  }
0x105: {  	v26 =	vld [tilespmem:$0x1850]  }
0x106: {  	v27 =	vld [tilespmem:$0x18D0]  }
0x107: {  	v28 =	vld [tilespmem:$0x1950]  }
0x108: {  	v29 =	vld [tilespmem:$0x1BE0]  }
0x109: {  	v30 =	vld [tilespmem:$0x1C60]  }
0x10a: {  	v31 =	vld [tilespmem:$0x1CE0]  }
0x10b: {  	v32 =	vld [tilespmem:$0x1BF0]  }
0x10c: {  	v33 =	vld [tilespmem:$0x1C70]  }
0x10d: {  	v34 =	vld [tilespmem:$0x1CF0]  }
0x10e: {  	v35 =	vld [tilespmem:$0x1C00]  }
0x10f: {  	v36 =	vld [tilespmem:$0x1C80]  }
0x110: {  	v37 =	vld [tilespmem:$0x1D00]  }
0x111: {  	v38 =	vld [tilespmem:$0x1C10]  }
0x112: {  	v39 =	vld [tilespmem:$0x1C90]  }
0x113: {  	v40 =	vld [tilespmem:$0x1D10]  }
0x114: {  	v41 =	vld [tilespmem:$0x1C20]  }
0x115: {  	v42 =	vld [tilespmem:$0x1CA0]  }
0x116: {  	v43 =	vld [tilespmem:$0x1D20]  }
0x117: {  	v44 =	vld [tilespmem:$0x1C30]  }
0x118: {  	v45 =	vld [tilespmem:$0x1CB0]  }
0x119: {  	v46 =	vld [tilespmem:$0x1D30]  }
0x11a: {  	v47 =	vld [tilespmem:$0x1C40]  }
0x11b: {  	v2 =	vmul.f32 v0, v5;
	v48 =	vld [tilespmem:$0x1CC0]  }
0x11c: {  	v1 =	vmul.f32 v0, v53;
	v49 =	vld [tilespmem:$0x1D40]  }
0x11d: {  	v5 =	vld [tilespmem:$0x1C50];
	v3 =	vmul.f32 v0, v58;
	v4 =	vmul.f32 v2, v59  }
0x11e: {  	v7 =	vld [tilespmem:$0x1CD0];
	v8 =	vmul.f32 v0, v61;
	v9 =	vmul.f32 v2, v62  }
0x11f: {  	v50 =	vld [tilespmem:$0x1D50];
	v58 =	vmul.f32 v1, v60;
	v59 =	vmul.f32 v1, v63  }
0x120: {  	v51 =	vld [tilespmem:$0x1FE0];
	v60 =	vmul.f32 v0, v54;
	v61 =	vmul.f32 v2, v55  }
0x121: {  	v6 =	vld [tilespmem:$0x2060];
	v62 =	vmul.f32 v0, v57;
	v63 =	vmul.f32 v2, v15  }
0x122: {  	v10 =	vld [tilespmem:$0x20E0];
	v52 =	vmul.f32 v1, v56;
	v53 =	vmul.f32 v1, v16  }
0x123: {  	v12 =	vld [tilespmem:$0x1FF0];
	v54 =	vmul.f32 v0, v17;
	v55 =	vmul.f32 v2, v18  }
0x124: {  	v15 =	vld [tilespmem:$0x2070];
	v56 =	vmul.f32 v1, v19;
	v57 =	vmul.f32 v0, v20  }
0x125: {  	v16 =	vld [tilespmem:$0x20F0];
	v5 =	vmul.f32 v5, v0;
	v7 =	vmul.f32 v7, v2;
	v3 =	vadd.f32 v4, v3  }
0x126: {  	v18 =	vld [tilespmem:$0x2000];
	v6 =	vmul.f32 v6, v2;
	v8 =	vadd.f32 v9, v8;
	v4 =	vadd.f32 v61, v60  }
0x127: {  	v20 =	vld [tilespmem:$0x2080];
	v9 =	vadd.f32 v63, v62;
	v60 =	vmul.f32 v0, v23;
	v61 =	vmul.f32 v2, v24  }
0x128: {  	v14 =	vadd.f32 v55, v54;
	v24 =	vld [tilespmem:$0x2010];
	v62 =	vmul.f32 v0, v26;
	v63 =	vmul.f32 v2, v27  }
0x129: {  	v27 =	vld [tilespmem:$0x2090];
	v54 =	vmul.f32 v28, v1;
	v3 =	vadd.f32 v3, v58;
	v8 =	vadd.f32 v8, v59  }
0x12a: {  	v23 =	vld [tilespmem:$0x2110];
	v55 =	vmul.f32 v29, v0;
	v4 =	vadd.f32 v4, v52;
	v9 =	vadd.f32 v9, v53  }
0x12b: {  	v28 =	vld [tilespmem:$0x20A0];
	v58 =	vmul.f32 v2, v21;
	v59 =	vmul.f32 v1, v22;
	v11 =	vadd.f32 v14, v56  }
0x12c: {  	v22 =	vld [tilespmem:$0x2100];
	v52 =	vadd.f32 v61, v60;
	v53 =	vmul.f32 v1, v25;
	v56 =	vmul.f32 v30, v2  }
0x12d: {  	v19 =	vadd.f32 v63, v62;
	v25 =	vld [tilespmem:$0x2020];
	v60 =	vmul.f32 v34, v1;
	v61 =	vmul.f32 v35, v0  }
0x12e: {  	v30 =	vld [tilespmem:$0x2120];
	v62 =	vmul.f32 v36, v2;
	v63 =	vmul.f32 v37, v1;
	v13 =	vadd.f32 v58, v57  }
0x12f: {  	v34 =	vld [tilespmem:$0x20B0];
	v14 =	vadd.f32 v52, v53;
	v57 =	vmul.f32 v32, v0;
	v58 =	vmul.f32 v33, v2  }
0x130: {  	v36 =	vld [tilespmem:$0x2130];
	v19 =	vadd.f32 v19, v54;
	v52 =	vmul.f32 v38, v0;
	v53 =	vmul.f32 v39, v2  }
0x131: {  	v37 =	vld [tilespmem:$0x23E0];
	v17 =	vadd.f32 v56, v55;
	v54 =	vmul.f32 v40, v1;
	v55 =	vmul.f32 v41, v0  }
0x132: {  	v32 =	vld [tilespmem:$0x2030];
	v29 =	vadd.f32 v62, v61;
	v56 =	vmul.f32 v42, v2;
	v61 =	vmul.f32 v46, v1  }
0x133: {  	v38 =	vld [tilespmem:$0x2040];
	v62 =	vmul.f32 v47, v0;
	v33 =	vmul.f32 v28, v2  }
0x134: {  	v40 =	vld [tilespmem:$0x20C0];
	v13 =	vadd.f32 v13, v59;
	v59 =	vmul.f32 v31, v1;
	v21 =	vadd.f32 v58, v57  }
0x135: {  	v42 =	vld [tilespmem:$0x2140];
	v31 =	vadd.f32 v53, v52;
	v57 =	vmul.f32 v44, v0;
	v58 =	vmul.f32 v45, v2  }
0x136: {  	v39 =	vld [tilespmem:$0x2050];
	v26 =	vadd.f32 v63, v29;
	v63 =	vmul.f32 v48, v2;
	v52 =	vmul.f32 v49, v1  }
0x137: {  	v5 =	vadd.f32 v7, v5;
	v41 =	vld [tilespmem:$0x20D0];
	v53 =	vmul.f32 v50, v1;
	v22 =	vmul.f32 v22, v1  }
0x138: {  	[tilespmem:$0x37F0] =	vst v8;
	v8 =	vld [tilespmem:$0x24E0];
	v46 =	vmul.f32 v34, v2;
	v49 =	vmul.f32 v36, v1;
	v17 =	vadd.f32 v59, v17  }
0x139: {  	[tilespmem:$0x3820] =	vst v11;
	v11 =	vld [tilespmem:$0x2480];
	v21 =	vadd.f32 v60, v21;
	v59 =	vadd.f32 v56, v55;
	v60 =	vmul.f32 v43, v1  }
0x13a: {  	v47 =	vld [tilespmem:$0x2490];
	v31 =	vadd.f32 v54, v31;
	v54 =	vmul.f32 v51, v0;
	v55 =	vmul.f32 v10, v1  }
0x13b: {  	[tilespmem:$0x37E0] =	vst v3;
	v44 =	vld [tilespmem:$0x2150];
	v35 =	vadd.f32 v58, v57;
	v56 =	vmul.f32 v12, v0;
	v57 =	vmul.f32 v15, v2  }
0x13c: {  	[tilespmem:$0x3800] =	vst v4;
	v45 =	vld [tilespmem:$0x2460];
	v48 =	vadd.f32 v63, v62;
	v58 =	vmul.f32 v16, v1;
	v62 =	vmul.f32 v27, v2  }
0x13d: {  	[tilespmem:$0x3840] =	vst v14;
	v14 =	vld [tilespmem:$0x2500];
	v27 =	vmul.f32 v25, v0;
	v43 =	vmul.f32 v32, v0  }
0x13e: {  	[tilespmem:$0x3810] =	vst v9;
	v50 =	vld [tilespmem:$0x2510];
	v5 =	vadd.f32 v53, v5;
	v51 =	vmul.f32 v38, v0;
	v8 =	vmul.f32 v8, v1  }
0x13f: {  	[tilespmem:$0x3850] =	vst v19;
	v36 =	vld [tilespmem:$0x2440];
	v38 =	vmul.f32 v11, v2;
	v29 =	vadd.f32 v60, v59;
	v35 =	vadd.f32 v61, v35  }
0x140: {  	v12 =	vld [tilespmem:$0x23F0];
	[tilespmem:$0x3830] =	vst v13;
	v3 =	vadd.f32 v52, v48;
	v59 =	vmul.f32 v18, v0;
	v60 =	vmul.f32 v20, v2  }
0x141: {  	v16 =	vld [tilespmem:$0x2470];
	[tilespmem:$0x3880] =	vst v26;
	v6 =	vadd.f32 v6, v54;
	v61 =	vmul.f32 v24, v0;
	v24 =	vmul.f32 v23, v1  }
0x142: {  	v53 =	vld [tilespmem:$0x2420];
	v9 =	vadd.f32 v57, v56;
	[tilespmem:$0x3860] =	vst v17;
	v48 =	vmul.f32 v30, v1;
	v52 =	vmul.f32 v40, v2  }
0x143: {  	v18 =	vld [tilespmem:$0x24F0];
	[tilespmem:$0x3870] =	vst v21;
	v7 =	vadd.f32 v33, v27;
	v54 =	vmul.f32 v42, v1;
	v57 =	vmul.f32 v41, v2  }
0x144: {  	v20 =	vld [tilespmem:$0x2400];
	[tilespmem:$0x3890] =	vst v31;
	v41 =	vmul.f32 v47, v2;
	v13 =	vadd.f32 v46, v43;
	v4 =	vadd.f32 v55, v6  }
0x145: {  	v17 =	vld [tilespmem:$0x2410];
	[tilespmem:$0x38D0] =	vst v5;
	v43 =	vmul.f32 v14, v1;
	v63 =	vadd.f32 v60, v59;
	v9 =	vadd.f32 v58, v9  }
0x146: {  	v56 =	vld [tilespmem:$0x24A0];
	v10 =	vadd.f32 v62, v61;
	[tilespmem:$0x38A0] =	vst v29;
	v55 =	vmul.f32 v39, v0;
	v58 =	vmul.f32 v44, v1  }
0x147: {  	v31 =	vld [tilespmem:$0x24B0];
	v7 =	vadd.f32 v48, v7;
	[tilespmem:$0x38B0] =	vst v35;
	v61 =	vmul.f32 v37, v0;
	v62 =	vmul.f32 v45, v2  }
0x148: {  	v42 =	vld [tilespmem:$0x24C0];
	[tilespmem:$0x38C0] =	vst v3;
	v60 =	vadd.f32 v52, v51;
	v44 =	vmul.f32 v50, v1;
	v51 =	vmul.f32 v36, v0  }
0x149: {  	v59 =	vld [tilespmem:$0x2520];
	v13 =	vadd.f32 v49, v13;
	v12 =	vmul.f32 v12, v0;
	v6 =	vadd.f32 v22, v63;
	[tilespmem:$0x38E0] =	vst v4  }
0x14a: {  	v39 =	vld [tilespmem:$0x2450];
	v16 =	vmul.f32 v16, v2;
	v10 =	vadd.f32 v24, v10;
	v26 =	vadd.f32 v57, v55;
	[tilespmem:$0x38F0] =	vst v9  }
0x14b: {  	v45 =	vld [tilespmem:$0x24D0];
	v46 =	vmul.f32 v53, v0;
	v3 =	vadd.f32 v54, v60;
	v32 =	vadd.f32 v62, v61;
	[tilespmem:$0x3920] =	vst v7  }
0x14c: {  	v63 =	vld [tilespmem:$0x2430];
	v34 =	vadd.f32 v16, v12;
	v35 =	vmul.f32 v18, v1;
	v37 =	vmul.f32 v20, v0;
	[tilespmem:$0x3930] =	vst v13  }
0x14d: {  	v48 =	vld [tilespmem:$0x2540];
	v40 =	vmul.f32 v17, v0;
	v47 =	vmul.f32 v56, v2;
	v5 =	vadd.f32 v58, v26;
	[tilespmem:$0x3900] =	vst v6  }
0x14e: {  	v33 =	vld [tilespmem:$0x2530];
	v54 =	vmul.f32 v31, v2;
	v4 =	vadd.f32 v8, v32;
	[tilespmem:$0x3910] =	vst v10;
	v9 =	vadd.f32 v35, v34  }
0x14f: {  	v52 =	vld [tilespmem:$0x2550];
	v57 =	vmul.f32 v42, v2;
	[tilespmem:$0x3940] =	vst v3;
	v6 =	vadd.f32 v38, v37;
	v10 =	vadd.f32 v41, v40  }
0x150: {  	v55 =	vadd.f32 v47, v46;
	v56 =	vmul.f32 v59, v1;
	v2 =	vmul.f32 v45, v2;
	[tilespmem:$0x3950] =	vst v5  }
0x151: {  	v60 =	vadd.f32 v57, v51;
	[tilespmem:$0x3960] =	vst v4;
	v49 =	vadd.f32 v43, v6;
	v50 =	vmul.f32 v63, v0  }
0x152: {  	v61 =	vmul.f32 v48, v1;
	v53 =	vadd.f32 v44, v10;
	v0 =	vmul.f32 v39, v0;
	[tilespmem:$0x3970] =	vst v9  }
0x153: {  	v58 =	vmul.f32 v33, v1;
	v59 =	vadd.f32 v56, v55;
	v6 =	vadd.f32 v54, v50;
	[tilespmem:$0x3980] =	vst v49  }
0x154: {  	v1 =	vmul.f32 v52, v1;
	v63 =	vadd.f32 v61, v60;
	[tilespmem:$0x3990] =	vst v53;
	v0 =	vadd.f32 v2, v0  }
0x155: {  	[tilespmem:$0x39A0] =	vst v59;
	v62 =	vadd.f32 v58, v6  }
0x156: {  	[tilespmem:$0x39C0] =	vst v63;
	v0 =	vadd.f32 v1, v0  }
0x157: {  	[tilespmem:$0x39B0] =	vst v62  }
0x158: {  	p0 =	sne.s32 s2, $0x0;
	[tilespmem:$0x39D0] =	vst v0  }
0x159: {  	_ =	sfence.sel @p0 $0x180000  }
0x15a: {  	[bflag:$0x0] =	sbarrier.arrive @p0 $0xFFFF  }
0x15b: {  	_ =	strace @p0 $0x90000047  }
0x15c: {  	s2 =	simm.s32 @!p0 $0x0;
	s3 =	simm.s32 @!p0 $0x37E0;
	[bflag:$0x2] =	sbarrier.arrive @p0 $0xFFFF  }
0x15d: {  	[hbm4b:s1+s2] =	stream.linear.scatter @!p0 [tilespmem:s3], [sflag:$0x2], $0x200, $0x38;
	[tilespmem:$0x39E0] =	vst v63  }
0x15e: {  	s1 =	simm.s32 @!p0 $0x2  }
0x15f: {  	_ =	swait.ge @!p0 [sflag:s1], $0x200  }
0x160: {  	[sflag:s1] =	ssyncset.done @!p0 $0x0  }
0x161: {  	[sflag:s1] =	ssyncadd.s32 @!p0 $0xFFFFFE00  }
0x162: {  	_ =	sfence.sel @!p0 $0x180000  }
0x163: {  	[bflag:$0x0] =	sbarrier.arrive @!p0 $0xFFFF  }
0x164: {  	_ =	strace @!p0 $0x90000047  }
0x165: {  	s0 =	sadd.s32 @!p0 $0x100000, s0;
	[bflag:$0x2] =	sbarrier.arrive @!p0 $0xFFFF  }
0x166: {  	[sflag:s0] =	ssyncadd.tile.s32 @!p0 $0x1;
	_ =	shalt  }
.Lfunc_end2:
_tile_overlayer_lowered:
.L_overlay_start_2:
0x167: {  	(tag) =	ssettag $0x2  }
0x168: {  	s0 =	rddreg [dreg:$0x0];
	s2 =	stileid.u32  }
0x169: {  	s1 =	rddreg [dreg:$0x1];
	p0 =	sne.s32 s2, $0x0  }
0x16a: {  	s3 =	rddreg [dreg:$0x2];
	[bflag:$0x3] =	sbarrier.arrive $0xFFFF;
	s2 =	simm.s32 @!p0 $0x1C02  }
0x16b: {  	[timem:s3], [sflag:s2] =	dma.local @!p0 [hbm:s0], s1  }
0x16c: {  	s0 =	simm.s32 @!p0 $0x2  }
0x16d: {  	_ =	swait.ge @!p0 [sflag:s0], s1  }
0x16e: {  	s1 =	ssub.s32 @!p0 $0x0, s1;
	[sflag:s0] =	ssyncset.done @!p0 $0x0  }
0x16f: {  	[sflag:s0] =	ssyncadd.s32 @!p0 s1  }
0x170: {  	[bflag:$0x3] =	sbarrier.arrive $0xFFFF  }
0x171: {  	_ =	shalt  }

</sc_bundles>
